<compile_context>
chip_gen: v7x
topology: tpu7x:2x2x1
jax: 0.10.2.dev20260603
libtpu: 0.0.44.dev20260713+nightly
codegen_flags: <defaults>
</compile_context>

<pallas_src>
import functools

import jax
import jax.numpy as jnp
import numpy as np
from jax import lax
from jax.experimental import pallas as pl
from jax.experimental.pallas import tpu as pltpu
from jax.experimental.pallas import tpu_sc as plsc

_N = 10000
_M = 32
_A = 128
_NB = 16
_S = 3
_R = _N * _M
_G = 2 * _A * _S

_NW = 32
_NWW = 25
_NPW = _N // _NWW
_CHUNK = 256


def _sc_gather(table, idx):
    mesh = plsc.VectorSubcoreMesh(core_axis_name="c", subcore_axis_name="s")

    @functools.partial(
        pl.kernel,
        out_type=jax.ShapeDtypeStruct((_R, _A), jnp.bfloat16),
        mesh=mesh,
        scratch_types=[
            pltpu.VMEM((_NPW, _M), jnp.int32),
            pltpu.VMEM((_NPW * _M,), jnp.int32),
            pltpu.VMEM((2, _CHUNK, _A), jnp.bfloat16),
            pltpu.SemaphoreType.DMA,
            pltpu.SemaphoreType.DMA,
        ],
        compiler_params=pltpu.CompilerParams(use_tc_tiling_on_sc=False),
    )
    def gk(table_hbm, idx_hbm, out_hbm, idx2_v, idx_v, rows_v, sem0, sem1):
        wid = lax.axis_index("s") * 2 + lax.axis_index("c")
        base = wid * _NPW * _M
        nchunk = (_NPW * _M) // _CHUNK
        sems = (sem0, sem1)

        def start(j, b):
            pltpu.async_copy(
                table_hbm.at[idx_v.at[pl.ds(j * _CHUNK, _CHUNK)]],
                rows_v.at[b],
                sems[b],
            )

        def finish(j, b):
            pltpu.make_async_copy(
                table_hbm.at[idx_v.at[pl.ds(0, _CHUNK)]],
                rows_v.at[b],
                sems[b],
            ).wait()
            pltpu.sync_copy(
                rows_v.at[b], out_hbm.at[pl.ds(base + j * _CHUNK, _CHUNK)]
            )

        @pl.when(wid < _NWW)
        def _work():
            pltpu.sync_copy(idx_hbm.at[pl.ds(wid * _NPW, _NPW)], idx2_v)

            def flatten(i, carry):
                for h in range(_M // 16):
                    idx_v[pl.ds(i * _M + h * 16, 16)] = idx2_v[
                        i, pl.ds(h * 16, 16)
                    ]
                return carry

            lax.fori_loop(0, _NPW, flatten, 0)
            start(0, 0)

            def body(p, carry):
                j0 = p * 2
                start(j0 + 1, 1)
                finish(j0, 0)

                @pl.when(j0 + 2 < nchunk)
                def _():
                    start(j0 + 2, 0)

                finish(j0 + 1, 1)
                return carry

            lax.fori_loop(0, nchunk // 2, body, 0)

    return gk(table, idx)


_BN1 = 200
_RB = _BN1 * _M
_BN3 = 2000
_BP = 256
_ZP = _BP - _BN1


_LOG2E = 1.4426950408889634
_LN2 = 0.6931471805599453


def _sigmoid(x):
    return 1.0 / (1.0 + jnp.exp2(x * -_LOG2E))


def _softplus(x):
    u = jnp.exp2(jnp.abs(x) * -_LOG2E)
    return jnp.maximum(x, 0.0) + _LN2 * jnp.log2(1.0 + u)


def _dot_t(a, b):
    return lax.dot_general(a, b, (((0,), (0,)), ((), ())),
                           preferred_element_type=jnp.float32)


def _p1_body(anbr, e, af, nn_o, ne_o, ns_o, ee_o, es_o, ss_o, cn_o, ce_o, ca_o):
    a = anbr[...]
    ev = e[...]
    fv = af[...]
    a32 = a.astype(jnp.float32)
    nbrsum = jnp.sum(a32.reshape(_BN1, _M, _A), axis=1)
    esum = jnp.sum(ev.reshape(_BN1, _M, _NB), axis=1)

    @pl.when(pl.program_id(0) == 0)
    def _():
        for o in (nn_o, ne_o, ns_o, ee_o, es_o, ss_o, cn_o, ce_o, ca_o):
            o[...] = jnp.zeros_like(o)

    nn_o[...] += _dot_t(a, a)
    ne_o[...] += _dot_t(a, ev)
    ns_o[...] += _dot_t(nbrsum, fv)
    ee_o[...] += _dot_t(ev, ev)
    es_o[...] += _dot_t(esum, fv)
    ss_o[...] += _dot_t(fv, fv)
    cn_o[...] += jnp.sum(nbrsum, axis=0)[None]
    ce_o[...] += jnp.sum(esum, axis=0)[None]
    ca_o[...] += jnp.sum(fv, axis=0)[None]


def _fdot(a, b):
    return jnp.dot(a, b, preferred_element_type=jnp.float32)


def _p2_body(anbr, e, af, wn, ws, we, g1, b1, nn, ne, ns, ee, es, ss,
             cn, ce, ca, bmat, bmat_t, summed_o, s2_o, q2_o,
             wn2_s, ws2_s, we2_s, shift_s):
    @pl.when(pl.program_id(0) == 0)
    def _():
        wnv, wsv, wev = wn[...], ws[...], we[...]
        mean = (_M * _fdot(ca[...], wsv) + _fdot(cn[...], wnv)
                + _fdot(ce[...], wev)) / _R
        e2 = (
            _M * jnp.sum(wsv * _fdot(ss[...], wsv), axis=0)
            + jnp.sum(wnv * _fdot(nn[...], wnv), axis=0)
            + jnp.sum(wev * _fdot(ee[...], wev), axis=0)
            + 2.0 * jnp.sum(wnv * _fdot(ns[...], wsv), axis=0)
            + 2.0 * jnp.sum(wev * _fdot(es[...], wsv), axis=0)
            + 2.0 * jnp.sum(wnv * _fdot(ne[...], wev), axis=0)
        )[None] / _R
        var = e2 - mean * mean
        sc1 = g1[...] * lax.rsqrt(var + 1e-5)
        shift_s[...] = b1[...] - mean * sc1
        wn2_s[...] = (wnv * sc1).astype(jnp.bfloat16)
        ws2_s[...] = wsv * sc1
        we2_s[...] = (wev * sc1).astype(jnp.bfloat16)

    s = jnp.dot(af[...], ws2_s[...], preferred_element_type=jnp.float32)
    s += shift_s[...]
    w2 = jnp.concatenate(
        [wn2_s[...], s.astype(jnp.bfloat16),
         jnp.zeros((_ZP, _G), jnp.bfloat16), we2_s[...]], axis=0)
    x2 = jnp.concatenate([anbr[...], bmat[...], e[...]], axis=1)
    g = jnp.dot(x2, w2, preferred_element_type=jnp.float32)

    @pl.when(pl.program_id(0) == 0)
    def _():
        s2_o[...] = jnp.zeros_like(s2_o)
        q2_o[...] = jnp.zeros_like(q2_o)

    for i in range(_S):
        filt = g[:, i * 2 * _A : i * 2 * _A + _A]
        core = g[:, i * 2 * _A + _A : (i + 1) * 2 * _A]
        act = (_sigmoid(filt) * _softplus(core)).astype(jnp.bfloat16)
        sm = jnp.dot(bmat_t[...], act,
                     preferred_element_type=jnp.float32)
        summed_o[:, i * _A : (i + 1) * _A] = sm
        s2_o[:, i * _A : (i + 1) * _A] += jnp.sum(sm, axis=0)[None]
        q2_o[:, i * _A : (i + 1) * _A] += jnp.sum(sm * sm, axis=0)[None]


def _p3_body(summed, af, s2, q2, g2, b2, fw, fb, out):
    mu2 = s2[...] / _N
    var2 = q2[...] / _N - mu2 * mu2
    sc2 = g2[...] * lax.rsqrt(var2 + 1e-5)
    sh2 = b2[...] - mu2 * sc2
    x = summed[...] * sc2 + sh2
    a = af[...]
    af3 = jnp.concatenate([a, a, a], axis=1)
    o = _softplus(af3 + x)
    y = jnp.dot(o, fw[...], preferred_element_type=jnp.float32) + fb[...]
    out[...] = jnp.maximum(y, 0.0)


def _rep_spec(shape):
    return pl.BlockSpec(shape, lambda i: tuple(0 for _ in shape))


def kernel(atom_fea, nbr_fea, nbr_fea_idx, params):
    ws_l, wn_l, we_l, b_l = [], [], [], []
    scales = (1, 2, 3)
    for i, s in enumerate(scales):
        w = params["fc_W_%d" % i]
        b = params["fc_b_%d" % i]
        w_self, w_nbr, w_e = w[:_A], w[_A : 2 * _A], w[2 * _A :]
        if s > 1:
            b = b + params["st_b_%d" % s] @ w_e
            w_e = params["st_W_%d" % s] @ w_e
        ws_l.append(w_self)
        wn_l.append(w_nbr)
        we_l.append(w_e)
        b_l.append(b)
    ws_all = jnp.concatenate(ws_l, axis=1)
    wn_all = jnp.concatenate(wn_l, axis=1)
    we_all = jnp.concatenate(we_l, axis=1)
    b_all = jnp.concatenate(b_l)
    g1 = jnp.concatenate([params["bn1_g_%d" % i] for i in range(_S)])
    b1 = jnp.concatenate([params["bn1_b_%d" % i] for i in range(_S)])
    g2 = jnp.concatenate([params["bn2_g_%d" % i] for i in range(_S)])
    b2 = jnp.concatenate([params["bn2_b_%d" % i] for i in range(_S)])

    table = atom_fea.astype(jnp.bfloat16)
    anbr = _sc_gather(table, nbr_fea_idx.astype(jnp.int32))

    e2d = nbr_fea.reshape(_R, _NB)
    e2d_bf = e2d.astype(jnp.bfloat16)

    grid1 = _N // _BN1
    nn, ne, ns, ee, es, ss, cn, ce, ca = pl.pallas_call(
        _p1_body,
        grid=(grid1,),
        in_specs=[
            pl.BlockSpec((_RB, _A), lambda i: (i, 0)),
            pl.BlockSpec((_RB, _NB), lambda i: (i, 0)),
            pl.BlockSpec((_BN1, _A), lambda i: (i, 0)),
        ],
        out_specs=[
            _rep_spec((_A, _A)),
            _rep_spec((_A, _NB)),
            _rep_spec((_A, _A)),
            _rep_spec((_NB, _NB)),
            _rep_spec((_NB, _A)),
            _rep_spec((_A, _A)),
            _rep_spec((1, _A)),
            _rep_spec((1, _NB)),
            _rep_spec((1, _A)),
        ],
        out_shape=[
            jax.ShapeDtypeStruct((_A, _A), jnp.float32),
            jax.ShapeDtypeStruct((_A, _NB), jnp.float32),
            jax.ShapeDtypeStruct((_A, _A), jnp.float32),
            jax.ShapeDtypeStruct((_NB, _NB), jnp.float32),
            jax.ShapeDtypeStruct((_NB, _A), jnp.float32),
            jax.ShapeDtypeStruct((_A, _A), jnp.float32),
            jax.ShapeDtypeStruct((1, _A), jnp.float32),
            jax.ShapeDtypeStruct((1, _NB), jnp.float32),
            jax.ShapeDtypeStruct((1, _A), jnp.float32),
        ],
    )(anbr, e2d_bf, atom_fea)

    bmat = jnp.asarray(
        np.pad(
            np.kron(np.eye(_BN1, dtype=np.float32), np.ones((_M, 1), np.float32)),
            ((0, 0), (0, _ZP)),
        ),
        dtype=jnp.bfloat16,
    )
    bmat_t = jnp.asarray(
        np.kron(np.eye(_BN1, dtype=np.float32), np.ones((1, _M), np.float32)),
        dtype=jnp.bfloat16,
    )

    summed, s2, q2 = pl.pallas_call(
        _p2_body,
        grid=(grid1,),
        in_specs=[
            pl.BlockSpec((_RB, _A), lambda i: (i, 0)),
            pl.BlockSpec((_RB, _NB), lambda i: (i, 0)),
            pl.BlockSpec((_BN1, _A), lambda i: (i, 0)),
            _rep_spec((_A, _G)),
            _rep_spec((_A, _G)),
            _rep_spec((_NB, _G)),
            _rep_spec((1, _G)),
            _rep_spec((1, _G)),
            _rep_spec((_A, _A)),
            _rep_spec((_A, _NB)),
            _rep_spec((_A, _A)),
            _rep_spec((_NB, _NB)),
            _rep_spec((_NB, _A)),
            _rep_spec((_A, _A)),
            _rep_spec((1, _A)),
            _rep_spec((1, _NB)),
            _rep_spec((1, _A)),
            _rep_spec((_RB, _BP)),
            _rep_spec((_BN1, _RB)),
        ],
        out_specs=[
            pl.BlockSpec((_BN1, _S * _A), lambda i: (i, 0)),
            _rep_spec((1, _S * _A)),
            _rep_spec((1, _S * _A)),
        ],
        out_shape=[
            jax.ShapeDtypeStruct((_N, _S * _A), jnp.float32),
            jax.ShapeDtypeStruct((1, _S * _A), jnp.float32),
            jax.ShapeDtypeStruct((1, _S * _A), jnp.float32),
        ],
        scratch_shapes=[
            pltpu.VMEM((_A, _G), jnp.bfloat16),
            pltpu.VMEM((_A, _G), jnp.float32),
            pltpu.VMEM((_NB, _G), jnp.bfloat16),
            pltpu.VMEM((1, _G), jnp.float32),
        ],
    )(
        anbr,
        e2d_bf,
        atom_fea,
        wn_all,
        ws_all,
        we_all,
        g1[None],
        b1[None],
        nn, ne, ns, ee, es, ss, cn, ce, ca,
        bmat,
        bmat_t,
    )

    out = pl.pallas_call(
        _p3_body,
        grid=(_N // _BN3,),
        in_specs=[
            pl.BlockSpec((_BN3, _S * _A), lambda i: (i, 0)),
            pl.BlockSpec((_BN3, _A), lambda i: (i, 0)),
            _rep_spec((1, _S * _A)),
            _rep_spec((1, _S * _A)),
            _rep_spec((1, _S * _A)),
            _rep_spec((1, _S * _A)),
            _rep_spec((_S * _A, _A)),
            _rep_spec((1, _A)),
        ],
        out_specs=pl.BlockSpec((_BN3, _A), lambda i: (i, 0)),
        out_shape=jax.ShapeDtypeStruct((_N, _A), jnp.float32),
    )(summed, atom_fea, s2, q2, g2[None], b2[None],
      params["fus_W"], params["fus_b"][None])
    return out

# --- scband reference (transcript-rebuilt; emitter-appended) ---
"""Pipeline reference for scband-multi-scale-conv-layer-60498909331488 (READ-ONLY COPY).

The authoritative reference and input builder live on the scoring server;
editing this copy changes nothing except your own understanding.
"""

import jax, jax.numpy as jnp
import numpy as np

N = 10000
M = 32
A = 128
NB = 16
SCALES = [1, 2, 3]


def _bn(x, g, b, eps=1e-5):
    mu = jnp.mean(x, axis=0)
    var = jnp.var(x, axis=0)
    return (x - mu) / jnp.sqrt(var + eps) * g + b


def _linear_init(k, fin, fout):
    lim = 1.0 / np.sqrt(fin)
    kw, kb = jax.random.split(k)
    W = jax.random.uniform(kw, (fin, fout), jnp.float32, -lim, lim)
    b = jax.random.uniform(kb, (fout,), jnp.float32, -lim, lim)
    return W, b


def setup_inputs(seed: int = 0) -> dict:
    key = jax.random.key(seed)
    ks = jax.random.split(key, 32)
    atom_fea = jax.random.normal(ks[0], (N, A), dtype=jnp.float32)
    nbr_fea = jax.random.normal(ks[1], (N, M, NB), dtype=jnp.float32)
    nbr_fea_idx = jax.random.randint(ks[2], (N, M), 0, N)
    params = {}
    for i in range(len(SCALES)):
        W, b = _linear_init(ks[3 + i], 2 * A + NB, 2 * A)
        params['fc_W_%d' % i] = W
        params['fc_b_%d' % i] = b
        params['bn1_g_%d' % i] = jnp.ones((2 * A,), jnp.float32)
        params['bn1_b_%d' % i] = jnp.zeros((2 * A,), jnp.float32)
        params['bn2_g_%d' % i] = jnp.ones((A,), jnp.float32)
        params['bn2_b_%d' % i] = jnp.zeros((A,), jnp.float32)
    for s in (2, 3):
        W, b = _linear_init(ks[10 + s], NB, NB)
        params['st_W_%d' % s] = W
        params['st_b_%d' % s] = b
    W, b = _linear_init(ks[20], len(SCALES) * A, A)
    params['fus_W'] = W
    params['fus_b'] = b
    params['scale_weights'] = jnp.ones((len(SCALES),), jnp.float32)
    return {'atom_fea': atom_fea, 'nbr_fea': nbr_fea, 'nbr_fea_idx': nbr_fea_idx, 'params': params}


def _conv(atom_fea, nbr_fea, idx, W, b, g1, b1, g2, b2):
    n, m = idx.shape
    atom_nbr = atom_fea[idx]  # gather: [N, M, A]
    self_fea = jnp.broadcast_to(atom_fea[:, None, :], (n, m, atom_fea.shape[-1]))
    total = jnp.concatenate([self_fea, atom_nbr, nbr_fea], axis=2)
    gated = total @ W + b
    gated = _bn(gated.reshape(n * m, -1), g1, b1).reshape(n, m, -1)
    filt, core = jnp.split(gated, 2, axis=2)
    summed = jnp.sum(jax.nn.sigmoid(filt) * jax.nn.softplus(core), axis=1)
    summed = _bn(summed, g2, b2)
    return jax.nn.softplus(atom_fea + summed)


def _forward(atom_fea, nbr_fea, params, nbr_fea_idx):
    outs = []
    for i, s in enumerate(SCALES):
        if s > 1:
            nf = nbr_fea @ params['st_W_%d' % s] + params['st_b_%d' % s]
        else:
            nf = nbr_fea
        outs.append(_conv(atom_fea, nf, nbr_fea_idx,
                          params['fc_W_%d' % i], params['fc_b_%d' % i],
                          params['bn1_g_%d' % i], params['bn1_b_%d' % i],
                          params['bn2_g_%d' % i], params['bn2_b_%d' % i]))
    sw = jax.nn.softmax(params['scale_weights'], axis=0)
    _weighted = [sw[i] * outs[i] for i in range(len(SCALES))]  # computed but unused, as in original
    concat = jnp.concatenate(outs, axis=-1)
    fused = concat @ params['fus_W'] + params['fus_b']
    return jax.nn.relu(fused)


def reference(atom_fea, nbr_fea, nbr_fea_idx, params):
    return _forward(atom_fea, nbr_fea, params, nbr_fea_idx)

if __name__ == "__main__":
    import jax
    _d = setup_inputs()
    print(jax.jit(kernel)(*tuple(_d.values())))

</pallas_src>

<mosaic_0001>
#map = affine_map<(d0, d1) -> (0, 0)>
module attributes {stable_mosaic.version = 14 : i64} {
  func.func @gk(%arg0: i32, %arg1: i32, %arg2: memref<10000x128xbf16, #tpu.memory_space<hbm>>, %arg3: memref<10000x32xi32, #tpu.memory_space<hbm>>, %arg4: memref<320000x128xbf16, #tpu.memory_space<hbm>>, %arg5: memref<400x32xi32, #tpu.memory_space<vmem>>, %arg6: memref<12800xi32, #tpu.memory_space<vmem>>, %arg7: memref<2x256x128xbf16, #tpu.memory_space<vmem>>, %arg8: memref<!tpu.dma_semaphore, #tpu.memory_space<semaphore_mem>>, %arg9: memref<!tpu.dma_semaphore, #tpu.memory_space<semaphore_mem>>) attributes {dimension_semantics = [#tpu.dimension_semantics<core_parallel>, #tpu.dimension_semantics<subcore_parallel>], iteration_bounds = array<i64: 2, 16>, scalar_prefetch = 0 : i64, scratch_operands = 5 : i64, tpu.core_type = #tpu.core_type<sc_vector_subcore>, window_params = [{transform_indices = #map}, {transform_indices = #map}, {transform_indices = #map}]} {
    %mul3A = arith.constant 2 : i32
    %mul3A_0 = arith.muli %arg1, %mul3A : i32
    %add3A = arith.addi %mul3A_0, %arg0 : i32
    %mul3A_1 = arith.constant 400 : i32
    %mul3A_2 = arith.muli %add3A, %mul3A_1 : i32
    %mul3A_3 = arith.constant 32 : i32
    %mul3A_4 = arith.muli %mul3A_2, %mul3A_3 : i32
    %lt3A = arith.constant 25 : i32
    %lt3A_5 = arith.cmpi slt, %add3A, %lt3A : i32
    %convert_element_type3A = arith.extui %lt3A_5 : i1 to i32
    %cond3A = arith.constant 0 : i32
    %cond3A_6 = arith.cmpi ne, %convert_element_type3A, %cond3A : i32
    scf.if %cond3A_6 {
      %mul3A_7 = arith.constant 400 : i32
      %mul3A_8 = arith.muli %add3A, %mul3A_7 : i32
      "tpu.region"() ({
        %run_scoped3A = tpu.sem_alloc : memref<!tpu.dma_semaphore, #tpu.memory_space<semaphore_mem>>
        %dma_start3A_29 = arith.constant 0 : i32
        %dma_start3A_30 = tpu.memref_slice %arg3[%mul3A_8, %dma_start3A_29] : memref<10000x32xi32, #tpu.memory_space<hbm>> -> memref<400x32xi32, #tpu.memory_space<hbm>>
        %dma_start3A_31 = arith.constant 0 : i32
        %dma_start3A_32 = tpu.memref_slice %arg3[%mul3A_8, %dma_start3A_31] : memref<10000x32xi32, #tpu.memory_space<hbm>> -> memref<400x32xi32, #tpu.memory_space<hbm>>
        tpu.enqueue_dma source(%dma_start3A_32 : memref<400x32xi32, #tpu.memory_space<hbm>>) target(%arg5 : memref<400x32xi32, #tpu.memory_space<vmem>>) target_semaphore(%run_scoped3A : memref<!tpu.dma_semaphore, #tpu.memory_space<semaphore_mem>>)
        %dma_wait3A = arith.constant 0 : i32
        %dma_wait3A_33 = tpu.memref_slice %arg3[%mul3A_8, %dma_wait3A] : memref<10000x32xi32, #tpu.memory_space<hbm>> -> memref<400x32xi32, #tpu.memory_space<hbm>>
        %dma_wait3A_34 = arith.constant 0 : i32
        %dma_wait3A_35 = tpu.memref_slice %arg3[%mul3A_8, %dma_wait3A_34] : memref<10000x32xi32, #tpu.memory_space<hbm>> -> memref<400x32xi32, #tpu.memory_space<hbm>>
        tpu.wait_dma2 semaphore(%run_scoped3A : memref<!tpu.dma_semaphore, #tpu.memory_space<semaphore_mem>>) src(%dma_wait3A_35 : memref<400x32xi32, #tpu.memory_space<hbm>>) dst(%arg5 : memref<400x32xi32, #tpu.memory_space<vmem>>)
        tpu.yield
      }) : () -> ()
      %scan3A = arith.constant 0 : i32
      %scan3A_9 = arith.constant 0 : i32
      %scan3A_10 = arith.constant 400 : i32
      %scan3A_11 = arith.addi %scan3A_9, %scan3A_10 : i32
      %scan3A_12 = arith.constant 1 : i32
      scf.for %scan3A_29 = %scan3A_9 to %scan3A_11 step %scan3A_12  : i32 {
        %get3A = arith.index_cast %scan3A_29 : i32 to index
        %get3A_30 = arith.constant 0 : index
        %get3A_31 = tpu.vector_load %arg5[%get3A, %get3A_30] {strides = array<i32>} : memref<400x32xi32, #tpu.memory_space<vmem>>, vector<1x16xi32>,
        %get3A_32 = vector.shape_cast %get3A_31 : vector<1x16xi32> to vector<16xi32>
        %mul3A_33 = arith.constant 32 : i32
        %mul3A_34 = arith.muli %scan3A_29, %mul3A_33 : i32
        %add3A_35 = arith.constant 0 : i32
        %add3A_36 = arith.addi %mul3A_34, %add3A_35 : i32
        %swap3A = arith.index_cast %add3A_36 : i32 to index
        %swap3A_37 = tpu.vector_load %arg6[%swap3A] {strides = array<i32>} : memref<12800xi32, #tpu.memory_space<vmem>>, vector<16xi32>,
        %swap3A_38 = vector.shape_cast %swap3A_37 : vector<16xi32> to vector<16xi32>
        %swap3A_39 = vector.shape_cast %get3A_32 : vector<16xi32> to vector<16xi32>
        tpu.vector_store %arg6[%swap3A], %swap3A_39 {strides = array<i32>} : memref<12800xi32, #tpu.memory_space<vmem>>, vector<16xi32>,
        %get3A_40 = arith.index_cast %scan3A_29 : i32 to index
        %get3A_41 = arith.constant 16 : index
        %get3A_42 = tpu.vector_load %arg5[%get3A_40, %get3A_41] {strides = array<i32>} : memref<400x32xi32, #tpu.memory_space<vmem>>, vector<1x16xi32>,
        %get3A_43 = vector.shape_cast %get3A_42 : vector<1x16xi32> to vector<16xi32>
        %mul3A_44 = arith.constant 32 : i32
        %mul3A_45 = arith.muli %scan3A_29, %mul3A_44 : i32
        %add3A_46 = arith.constant 16 : i32
        %add3A_47 = arith.addi %mul3A_45, %add3A_46 : i32
        %swap3A_48 = arith.index_cast %add3A_47 : i32 to index
        %swap3A_49 = tpu.vector_load %arg6[%swap3A_48] {strides = array<i32>} : memref<12800xi32, #tpu.memory_space<vmem>>, vector<16xi32>,
        %swap3A_50 = vector.shape_cast %swap3A_49 : vector<16xi32> to vector<16xi32>
        %swap3A_51 = vector.shape_cast %get3A_43 : vector<16xi32> to vector<16xi32>
        tpu.vector_store %arg6[%swap3A_48], %swap3A_51 {strides = array<i32>} : memref<12800xi32, #tpu.memory_space<vmem>>, vector<16xi32>,
      }
      %scan3A_13 = arith.constant 400 : i32
      %dma_start3A = arith.constant 0 : i32
      %dma_start3A_14 = arith.constant 0 : i32
      %dma_start3A_15 = arith.constant 0 : i32
      %dma_start3A_16 = tpu.memref_slice %arg7[%dma_start3A, %dma_start3A_14, %dma_start3A_15] : memref<2x256x128xbf16, #tpu.memory_space<vmem>> -> memref<1x256x128xbf16, #tpu.memory_space<vmem>>
      %dma_start3A_17 = tpu.memref_squeeze %dma_start3A_16 : memref<1x256x128xbf16, #tpu.memory_space<vmem>> -> memref<256x128xbf16, #tpu.memory_space<vmem>>
      %dma_start3A_18 = arith.constant 0 : i32
      %dma_start3A_19 = tpu.memref_slice %arg6[%dma_start3A_18] : memref<12800xi32, #tpu.memory_space<vmem>> -> memref<256xi32, #tpu.memory_space<vmem>>
      %dma_start3A_20 = arith.constant 0 : i32
      %dma_start3A_21 = arith.constant 0 : i32
      %dma_start3A_22 = tpu.memref_slice %arg2[%dma_start3A_20, %dma_start3A_21] : memref<10000x128xbf16, #tpu.memory_space<hbm>> -> memref<10000x128xbf16, #tpu.memory_space<hbm>>
      tpu.enqueue_indirect_dma source(%dma_start3A_22 : memref<10000x128xbf16, #tpu.memory_space<hbm>>) target(%dma_start3A_17 : memref<256x128xbf16, #tpu.memory_space<vmem>>) offsets(%dma_start3A_19 : memref<256xi32, #tpu.memory_space<vmem>>) semaphore(%arg8 : memref<!tpu.dma_semaphore, #tpu.memory_space<semaphore_mem>>)
      %scan3A_23 = arith.constant 0 : i32
      %scan3A_24 = arith.constant 0 : i32
      %scan3A_25 = arith.constant 25 : i32
      %scan3A_26 = arith.addi %scan3A_24, %scan3A_25 : i32
      %scan3A_27 = arith.constant 1 : i32
      scf.for %scan3A_29 = %scan3A_24 to %scan3A_26 step %scan3A_27  : i32 {
        %mul3A_30 = arith.constant 2 : i32
        %mul3A_31 = arith.muli %scan3A_29, %mul3A_30 : i32
        %add3A_32 = arith.constant 1 : i32
        %add3A_33 = arith.addi %mul3A_31, %add3A_32 : i32
        %mul3A_34 = arith.constant 256 : i32
        %mul3A_35 = arith.muli %add3A_33, %mul3A_34 : i32
        %dma_start3A_36 = arith.constant 1 : i32
        %dma_start3A_37 = arith.constant 0 : i32
        %dma_start3A_38 = arith.constant 0 : i32
        %dma_start3A_39 = tpu.memref_slice %arg7[%dma_start3A_36, %dma_start3A_37, %dma_start3A_38] : memref<2x256x128xbf16, #tpu.memory_space<vmem>> -> memref<1x256x128xbf16, #tpu.memory_space<vmem>>
        %dma_start3A_40 = tpu.memref_squeeze %dma_start3A_39 : memref<1x256x128xbf16, #tpu.memory_space<vmem>> -> memref<256x128xbf16, #tpu.memory_space<vmem>>
        %dma_start3A_41 = tpu.memref_slice %arg6[%mul3A_35] : memref<12800xi32, #tpu.memory_space<vmem>> -> memref<256xi32, #tpu.memory_space<vmem>>
        %dma_start3A_42 = arith.constant 0 : i32
        %dma_start3A_43 = arith.constant 0 : i32
        %dma_start3A_44 = tpu.memref_slice %arg2[%dma_start3A_42, %dma_start3A_43] : memref<10000x128xbf16, #tpu.memory_space<hbm>> -> memref<10000x128xbf16, #tpu.memory_space<hbm>>
        tpu.enqueue_indirect_dma source(%dma_start3A_44 : memref<10000x128xbf16, #tpu.memory_space<hbm>>) target(%dma_start3A_40 : memref<256x128xbf16, #tpu.memory_space<vmem>>) offsets(%dma_start3A_41 : memref<256xi32, #tpu.memory_space<vmem>>) semaphore(%arg9 : memref<!tpu.dma_semaphore, #tpu.memory_space<semaphore_mem>>)
        %dma_wait3A = arith.constant 0 : i32
        %dma_wait3A_45 = arith.constant 0 : i32
        %dma_wait3A_46 = arith.constant 0 : i32
        %dma_wait3A_47 = tpu.memref_slice %arg7[%dma_wait3A, %dma_wait3A_45, %dma_wait3A_46] : memref<2x256x128xbf16, #tpu.memory_space<vmem>> -> memref<1x256x128xbf16, #tpu.memory_space<vmem>>
        %dma_wait3A_48 = tpu.memref_squeeze %dma_wait3A_47 : memref<1x256x128xbf16, #tpu.memory_space<vmem>> -> memref<256x128xbf16, #tpu.memory_space<vmem>>
        %dma_wait3A_49 = arith.constant 0 : i32
        %dma_wait3A_50 = tpu.memref_slice %arg6[%dma_wait3A_49] : memref<12800xi32, #tpu.memory_space<vmem>> -> memref<256xi32, #tpu.memory_space<vmem>>
        %dma_wait3A_51 = arith.constant 0 : i32
        %dma_wait3A_52 = arith.constant 0 : i32
        %dma_wait3A_53 = tpu.memref_slice %arg2[%dma_wait3A_51, %dma_wait3A_52] : memref<10000x128xbf16, #tpu.memory_space<hbm>> -> memref<10000x128xbf16, #tpu.memory_space<hbm>>
        tpu.wait_indirect_dma semaphore(%arg8 : memref<!tpu.dma_semaphore, #tpu.memory_space<semaphore_mem>>) src(%dma_wait3A_53 : memref<10000x128xbf16, #tpu.memory_space<hbm>>) dst(%dma_wait3A_48 : memref<256x128xbf16, #tpu.memory_space<vmem>>)
        %mul3A_54 = arith.constant 256 : i32
        %mul3A_55 = arith.muli %mul3A_31, %mul3A_54 : i32
        %add3A_56 = arith.addi %mul3A_4, %mul3A_55 : i32
        %run_scoped3A = arith.constant 0 : i32
        "tpu.region"() ({
          %run_scoped3A_80 = tpu.sem_alloc : memref<!tpu.dma_semaphore, #tpu.memory_space<semaphore_mem>>
          %dma_start3A_81 = arith.constant 0 : i32
          %dma_start3A_82 = arith.constant 0 : i32
          %dma_start3A_83 = tpu.memref_slice %arg7[%run_scoped3A, %dma_start3A_81, %dma_start3A_82] : memref<2x256x128xbf16, #tpu.memory_space<vmem>> -> memref<1x256x128xbf16, #tpu.memory_space<vmem>>
          %dma_start3A_84 = tpu.memref_squeeze %dma_start3A_83 : memref<1x256x128xbf16, #tpu.memory_space<vmem>> -> memref<256x128xbf16, #tpu.memory_space<vmem>>
          %dma_start3A_85 = arith.constant 0 : i32
          %dma_start3A_86 = tpu.memref_slice %arg4[%add3A_56, %dma_start3A_85] : memref<320000x128xbf16, #tpu.memory_space<hbm>> -> memref<256x128xbf16, #tpu.memory_space<hbm>>
          %dma_start3A_87 = arith.constant 0 : i32
          %dma_start3A_88 = tpu.memref_slice %arg4[%add3A_56, %dma_start3A_87] : memref<320000x128xbf16, #tpu.memory_space<hbm>> -> memref<256x128xbf16, #tpu.memory_space<hbm>>
          %dma_start3A_89 = arith.constant 0 : i32
          %dma_start3A_90 = arith.constant 0 : i32
          %dma_start3A_91 = tpu.memref_slice %arg7[%run_scoped3A, %dma_start3A_89, %dma_start3A_90] : memref<2x256x128xbf16, #tpu.memory_space<vmem>> -> memref<1x256x128xbf16, #tpu.memory_space<vmem>>
          %dma_start3A_92 = tpu.memref_squeeze %dma_start3A_91 : memref<1x256x128xbf16, #tpu.memory_space<vmem>> -> memref<256x128xbf16, #tpu.memory_space<vmem>>
          tpu.enqueue_dma source(%dma_start3A_92 : memref<256x128xbf16, #tpu.memory_space<vmem>>) target(%dma_start3A_88 : memref<256x128xbf16, #tpu.memory_space<hbm>>) target_semaphore(%run_scoped3A_80 : memref<!tpu.dma_semaphore, #tpu.memory_space<semaphore_mem>>)
          %dma_wait3A_93 = arith.constant 0 : i32
          %dma_wait3A_94 = arith.constant 0 : i32
          %dma_wait3A_95 = tpu.memref_slice %arg7[%run_scoped3A, %dma_wait3A_93, %dma_wait3A_94] : memref<2x256x128xbf16, #tpu.memory_space<vmem>> -> memref<1x256x128xbf16, #tpu.memory_space<vmem>>
          %dma_wait3A_96 = tpu.memref_squeeze %dma_wait3A_95 : memref<1x256x128xbf16, #tpu.memory_space<vmem>> -> memref<256x128xbf16, #tpu.memory_space<vmem>>
          %dma_wait3A_97 = arith.constant 0 : i32
          %dma_wait3A_98 = tpu.memref_slice %arg4[%add3A_56, %dma_wait3A_97] : memref<320000x128xbf16, #tpu.memory_space<hbm>> -> memref<256x128xbf16, #tpu.memory_space<hbm>>
          %dma_wait3A_99 = arith.constant 0 : i32
          %dma_wait3A_100 = tpu.memref_slice %arg4[%add3A_56, %dma_wait3A_99] : memref<320000x128xbf16, #tpu.memory_space<hbm>> -> memref<256x128xbf16, #tpu.memory_space<hbm>>
          %dma_wait3A_101 = arith.constant 0 : i32
          %dma_wait3A_102 = arith.constant 0 : i32
          %dma_wait3A_103 = tpu.memref_slice %arg7[%run_scoped3A, %dma_wait3A_101, %dma_wait3A_102] : memref<2x256x128xbf16, #tpu.memory_space<vmem>> -> memref<1x256x128xbf16, #tpu.memory_space<vmem>>
          %dma_wait3A_104 = tpu.memref_squeeze %dma_wait3A_103 : memref<1x256x128xbf16, #tpu.memory_space<vmem>> -> memref<256x128xbf16, #tpu.memory_space<vmem>>
          tpu.wait_dma2 semaphore(%run_scoped3A_80 : memref<!tpu.dma_semaphore, #tpu.memory_space<semaphore_mem>>) src(%dma_wait3A_104 : memref<256x128xbf16, #tpu.memory_space<vmem>>) dst(%dma_wait3A_100 : memref<256x128xbf16, #tpu.memory_space<hbm>>)
          tpu.yield
        }) : () -> ()
        %add3A_57 = arith.constant 2 : i32
        %add3A_58 = arith.addi %mul3A_31, %add3A_57 : i32
        %lt3A_59 = arith.constant 50 : i32
        %lt3A_60 = arith.cmpi slt, %add3A_58, %lt3A_59 : i32
        %convert_element_type3A_61 = arith.extui %lt3A_60 : i1 to i32
        %cond3A_62 = arith.constant 0 : i32
        %cond3A_63 = arith.cmpi ne, %convert_element_type3A_61, %cond3A_62 : i32
        scf.if %cond3A_63 {
          %add3A_80 = arith.constant 2 : i32
          %add3A_81 = arith.addi %mul3A_31, %add3A_80 : i32
          %mul3A_82 = arith.constant 256 : i32
          %mul3A_83 = arith.muli %add3A_81, %mul3A_82 : i32
          %dma_start3A_84 = arith.constant 0 : i32
          %dma_start3A_85 = arith.constant 0 : i32
          %dma_start3A_86 = arith.constant 0 : i32
          %dma_start3A_87 = tpu.memref_slice %arg7[%dma_start3A_84, %dma_start3A_85, %dma_start3A_86] : memref<2x256x128xbf16, #tpu.memory_space<vmem>> -> memref<1x256x128xbf16, #tpu.memory_space<vmem>>
          %dma_start3A_88 = tpu.memref_squeeze %dma_start3A_87 : memref<1x256x128xbf16, #tpu.memory_space<vmem>> -> memref<256x128xbf16, #tpu.memory_space<vmem>>
          %dma_start3A_89 = tpu.memref_slice %arg6[%mul3A_83] : memref<12800xi32, #tpu.memory_space<vmem>> -> memref<256xi32, #tpu.memory_space<vmem>>
          %dma_start3A_90 = arith.constant 0 : i32
          %dma_start3A_91 = arith.constant 0 : i32
          %dma_start3A_92 = tpu.memref_slice %arg2[%dma_start3A_90, %dma_start3A_91] : memref<10000x128xbf16, #tpu.memory_space<hbm>> -> memref<10000x128xbf16, #tpu.memory_space<hbm>>
          tpu.enqueue_indirect_dma source(%dma_start3A_92 : memref<10000x128xbf16, #tpu.memory_space<hbm>>) target(%dma_start3A_88 : memref<256x128xbf16, #tpu.memory_space<vmem>>) offsets(%dma_start3A_89 : memref<256xi32, #tpu.memory_space<vmem>>) semaphore(%arg8 : memref<!tpu.dma_semaphore, #tpu.memory_space<semaphore_mem>>)
        } else {
        }
        %add3A_64 = arith.constant 1 : i32
        %add3A_65 = arith.addi %mul3A_31, %add3A_64 : i32
        %dma_wait3A_66 = arith.constant 1 : i32
        %dma_wait3A_67 = arith.constant 0 : i32
        %dma_wait3A_68 = arith.constant 0 : i32
        %dma_wait3A_69 = tpu.memref_slice %arg7[%dma_wait3A_66, %dma_wait3A_67, %dma_wait3A_68] : memref<2x256x128xbf16, #tpu.memory_space<vmem>> -> memref<1x256x128xbf16, #tpu.memory_space<vmem>>
        %dma_wait3A_70 = tpu.memref_squeeze %dma_wait3A_69 : memref<1x256x128xbf16, #tpu.memory_space<vmem>> -> memref<256x128xbf16, #tpu.memory_space<vmem>>
        %dma_wait3A_71 = arith.constant 0 : i32
        %dma_wait3A_72 = tpu.memref_slice %arg6[%dma_wait3A_71] : memref<12800xi32, #tpu.memory_space<vmem>> -> memref<256xi32, #tpu.memory_space<vmem>>
        %dma_wait3A_73 = arith.constant 0 : i32
        %dma_wait3A_74 = arith.constant 0 : i32
        %dma_wait3A_75 = tpu.memref_slice %arg2[%dma_wait3A_73, %dma_wait3A_74] : memref<10000x128xbf16, #tpu.memory_space<hbm>> -> memref<10000x128xbf16, #tpu.memory_space<hbm>>
        tpu.wait_indirect_dma semaphore(%arg9 : memref<!tpu.dma_semaphore, #tpu.memory_space<semaphore_mem>>) src(%dma_wait3A_75 : memref<10000x128xbf16, #tpu.memory_space<hbm>>) dst(%dma_wait3A_70 : memref<256x128xbf16, #tpu.memory_space<vmem>>)
        %mul3A_76 = arith.constant 256 : i32
        %mul3A_77 = arith.muli %add3A_65, %mul3A_76 : i32
        %add3A_78 = arith.addi %mul3A_4, %mul3A_77 : i32
        %run_scoped3A_79 = arith.constant 1 : i32
        "tpu.region"() ({
          %run_scoped3A_80 = tpu.sem_alloc : memref<!tpu.dma_semaphore, #tpu.memory_space<semaphore_mem>>
          %dma_start3A_81 = arith.constant 0 : i32
          %dma_start3A_82 = arith.constant 0 : i32
          %dma_start3A_83 = tpu.memref_slice %arg7[%run_scoped3A_79, %dma_start3A_81, %dma_start3A_82] : memref<2x256x128xbf16, #tpu.memory_space<vmem>> -> memref<1x256x128xbf16, #tpu.memory_space<vmem>>
          %dma_start3A_84 = tpu.memref_squeeze %dma_start3A_83 : memref<1x256x128xbf16, #tpu.memory_space<vmem>> -> memref<256x128xbf16, #tpu.memory_space<vmem>>
          %dma_start3A_85 = arith.constant 0 : i32
          %dma_start3A_86 = tpu.memref_slice %arg4[%add3A_78, %dma_start3A_85] : memref<320000x128xbf16, #tpu.memory_space<hbm>> -> memref<256x128xbf16, #tpu.memory_space<hbm>>
          %dma_start3A_87 = arith.constant 0 : i32
          %dma_start3A_88 = tpu.memref_slice %arg4[%add3A_78, %dma_start3A_87] : memref<320000x128xbf16, #tpu.memory_space<hbm>> -> memref<256x128xbf16, #tpu.memory_space<hbm>>
          %dma_start3A_89 = arith.constant 0 : i32
          %dma_start3A_90 = arith.constant 0 : i32
          %dma_start3A_91 = tpu.memref_slice %arg7[%run_scoped3A_79, %dma_start3A_89, %dma_start3A_90] : memref<2x256x128xbf16, #tpu.memory_space<vmem>> -> memref<1x256x128xbf16, #tpu.memory_space<vmem>>
          %dma_start3A_92 = tpu.memref_squeeze %dma_start3A_91 : memref<1x256x128xbf16, #tpu.memory_space<vmem>> -> memref<256x128xbf16, #tpu.memory_space<vmem>>
          tpu.enqueue_dma source(%dma_start3A_92 : memref<256x128xbf16, #tpu.memory_space<vmem>>) target(%dma_start3A_88 : memref<256x128xbf16, #tpu.memory_space<hbm>>) target_semaphore(%run_scoped3A_80 : memref<!tpu.dma_semaphore, #tpu.memory_space<semaphore_mem>>)
          %dma_wait3A_93 = arith.constant 0 : i32
          %dma_wait3A_94 = arith.constant 0 : i32
          %dma_wait3A_95 = tpu.memref_slice %arg7[%run_scoped3A_79, %dma_wait3A_93, %dma_wait3A_94] : memref<2x256x128xbf16, #tpu.memory_space<vmem>> -> memref<1x256x128xbf16, #tpu.memory_space<vmem>>
          %dma_wait3A_96 = tpu.memref_squeeze %dma_wait3A_95 : memref<1x256x128xbf16, #tpu.memory_space<vmem>> -> memref<256x128xbf16, #tpu.memory_space<vmem>>
          %dma_wait3A_97 = arith.constant 0 : i32
          %dma_wait3A_98 = tpu.memref_slice %arg4[%add3A_78, %dma_wait3A_97] : memref<320000x128xbf16, #tpu.memory_space<hbm>> -> memref<256x128xbf16, #tpu.memory_space<hbm>>
          %dma_wait3A_99 = arith.constant 0 : i32
          %dma_wait3A_100 = tpu.memref_slice %arg4[%add3A_78, %dma_wait3A_99] : memref<320000x128xbf16, #tpu.memory_space<hbm>> -> memref<256x128xbf16, #tpu.memory_space<hbm>>
          %dma_wait3A_101 = arith.constant 0 : i32
          %dma_wait3A_102 = arith.constant 0 : i32
          %dma_wait3A_103 = tpu.memref_slice %arg7[%run_scoped3A_79, %dma_wait3A_101, %dma_wait3A_102] : memref<2x256x128xbf16, #tpu.memory_space<vmem>> -> memref<1x256x128xbf16, #tpu.memory_space<vmem>>
          %dma_wait3A_104 = tpu.memref_squeeze %dma_wait3A_103 : memref<1x256x128xbf16, #tpu.memory_space<vmem>> -> memref<256x128xbf16, #tpu.memory_space<vmem>>
          tpu.wait_dma2 semaphore(%run_scoped3A_80 : memref<!tpu.dma_semaphore, #tpu.memory_space<semaphore_mem>>) src(%dma_wait3A_104 : memref<256x128xbf16, #tpu.memory_space<vmem>>) dst(%dma_wait3A_100 : memref<256x128xbf16, #tpu.memory_space<hbm>>)
          tpu.yield
        }) : () -> ()
      }
      %scan3A_28 = arith.constant 25 : i32
    } else {
    }
    return
  }
}

module attributes {stable_mosaic.version = 14 : i64} {
  func.func @_p1_body(%arg0: i32, %arg1: memref<6400x128xbf16, #tpu.memory_space<vmem>>, %arg2: memref<6400x16xbf16, #tpu.memory_space<vmem>>, %arg3: memref<200x128xf32, #tpu.memory_space<vmem>>, %arg4: memref<128x128xf32, #tpu.memory_space<vmem>>, %arg5: memref<128x16xf32, #tpu.memory_space<vmem>>, %arg6: memref<128x128xf32, #tpu.memory_space<vmem>>, %arg7: memref<16x16xf32, #tpu.memory_space<vmem>>, %arg8: memref<16x128xf32, #tpu.memory_space<vmem>>, %arg9: memref<128x128xf32, #tpu.memory_space<vmem>>, %arg10: memref<1x128xf32, #tpu.memory_space<vmem>>, %arg11: memref<1x16xf32, #tpu.memory_space<vmem>>, %arg12: memref<1x128xf32, #tpu.memory_space<vmem>>) attributes {dimension_semantics = [#tpu.dimension_semantics<arbitrary>], iteration_bounds = array<i64: 50>, scalar_prefetch = 0 : i64, scratch_operands = 0 : i64, tpu.core_type = #tpu.core_type<tc>, window_params = [{transform_indices = @transform_0, window_bounds = array<i64: 6400, 128>}, {transform_indices = @transform_1, window_bounds = array<i64: 6400, 16>}, {transform_indices = @transform_2, window_bounds = array<i64: 200, 128>}, {pipeline_mode = #tpu.pipeline_mode<synchronous>, transform_indices = @transform_3, window_bounds = array<i64: 128, 128>}, {pipeline_mode = #tpu.pipeline_mode<synchronous>, transform_indices = @transform_4, window_bounds = array<i64: 128, 16>}, {pipeline_mode = #tpu.pipeline_mode<synchronous>, transform_indices = @transform_5, window_bounds = array<i64: 128, 128>}, {pipeline_mode = #tpu.pipeline_mode<synchronous>, transform_indices = @transform_6, window_bounds = array<i64: 16, 16>}, {pipeline_mode = #tpu.pipeline_mode<synchronous>, transform_indices = @transform_7, window_bounds = array<i64: 16, 128>}, {pipeline_mode = #tpu.pipeline_mode<synchronous>, transform_indices = @transform_8, window_bounds = array<i64: 128, 128>}, {pipeline_mode = #tpu.pipeline_mode<synchronous>, transform_indices = @transform_9, window_bounds = array<i64: 1, 128>}, {pipeline_mode = #tpu.pipeline_mode<synchronous>, transform_indices = @transform_10, window_bounds = array<i64: 1, 16>}, {pipeline_mode = #tpu.pipeline_mode<synchronous>, transform_indices = @transform_11, window_bounds = array<i64: 1, 128>}]} {
    %get3A = arith.constant 0 : index
    %get3A_0 = arith.constant 0 : index
    %get3A_1 = vector.load %arg1[%get3A, %get3A_0] : memref<6400x128xbf16, #tpu.memory_space<vmem>>, vector<6400x128xbf16>
    %get3A_2 = arith.constant 0 : index
    %get3A_3 = arith.constant 0 : index
    %get3A_4 = vector.load %arg2[%get3A_2, %get3A_3] : memref<6400x16xbf16, #tpu.memory_space<vmem>>, vector<6400x16xbf16>
    %get3A_5 = arith.constant 0 : index
    %get3A_6 = arith.constant 0 : index
    %get3A_7 = vector.load %arg3[%get3A_5, %get3A_6] : memref<200x128xf32, #tpu.memory_space<vmem>>, vector<200x128xf32>
    %convert_element_type3A = arith.extf %get3A_1 : vector<6400x128xbf16> to vector<6400x128xf32>
    %reshape3A = vector.shape_cast %convert_element_type3A : vector<6400x128xf32> to vector<200x32x128xf32>
    %reduce_sum3A = arith.constant dense<0.000000e+00> : vector<200x128xf32>
    %reduce_sum3A_8 = vector.multi_reduction <add>, %reshape3A, %reduce_sum3A [1] : vector<200x32x128xf32> to vector<200x128xf32>
    %reshape3A_9 = vector.shape_cast %get3A_4 : vector<6400x16xbf16> to vector<200x32x16xbf16>
    %convert_element_type3A_10 = arith.extf %reshape3A_9 : vector<200x32x16xbf16> to vector<200x32x16xf32>
    %reduce_sum3A_11 = arith.constant dense<0.000000e+00> : vector<200x16xf32>
    %reduce_sum3A_12 = vector.multi_reduction <add>, %convert_element_type3A_10, %reduce_sum3A_11 [1] : vector<200x32x16xf32> to vector<200x16xf32>
    %convert_element_type3A_13 = arith.truncf %reduce_sum3A_12 : vector<200x16xf32> to vector<200x16xbf16>
    %eq3A = arith.constant 0 : i32
    %eq3A_14 = arith.cmpi eq, %arg0, %eq3A : i32
    %convert_element_type3A_15 = arith.extui %eq3A_14 : i1 to i32
    %cond3A = arith.constant 0 : i32
    %cond3A_16 = arith.cmpi ne, %convert_element_type3A_15, %cond3A : i32
    scf.if %cond3A_16 {
      %broadcast_in_dim3A_100 = arith.constant 0.000000e+00 : f32
      %broadcast_in_dim3A_101 = vector.broadcast %broadcast_in_dim3A_100 : f32 to vector<128x128xf32>
      %swap3A_102 = arith.constant 0 : index
      %swap3A_103 = arith.constant 0 : index
      %swap3A_104 = vector.load %arg4[%swap3A_102, %swap3A_103] : memref<128x128xf32, #tpu.memory_space<vmem>>, vector<128x128xf32>
      tpu.vector_store %arg4[%swap3A_102, %swap3A_103], %broadcast_in_dim3A_101 {strides = array<i32>} : memref<128x128xf32, #tpu.memory_space<vmem>>, vector<128x128xf32>,
      %broadcast_in_dim3A_105 = arith.constant 0.000000e+00 : f32
      %broadcast_in_dim3A_106 = vector.broadcast %broadcast_in_dim3A_105 : f32 to vector<128x16xf32>
      %swap3A_107 = arith.constant 0 : index
      %swap3A_108 = arith.constant 0 : index
      %swap3A_109 = vector.load %arg5[%swap3A_107, %swap3A_108] : memref<128x16xf32, #tpu.memory_space<vmem>>, vector<128x16xf32>
      tpu.vector_store %arg5[%swap3A_107, %swap3A_108], %broadcast_in_dim3A_106 {strides = array<i32>} : memref<128x16xf32, #tpu.memory_space<vmem>>, vector<128x16xf32>,
      %broadcast_in_dim3A_110 = arith.constant 0.000000e+00 : f32
      %broadcast_in_dim3A_111 = vector.broadcast %broadcast_in_dim3A_110 : f32 to vector<128x128xf32>
      %swap3A_112 = arith.constant 0 : index
      %swap3A_113 = arith.constant 0 : index
      %swap3A_114 = vector.load %arg6[%swap3A_112, %swap3A_113] : memref<128x128xf32, #tpu.memory_space<vmem>>, vector<128x128xf32>
      tpu.vector_store %arg6[%swap3A_112, %swap3A_113], %broadcast_in_dim3A_111 {strides = array<i32>} : memref<128x128xf32, #tpu.memory_space<vmem>>, vector<128x128xf32>,
      %broadcast_in_dim3A_115 = arith.constant 0.000000e+00 : f32
      %broadcast_in_dim3A_116 = vector.broadcast %broadcast_in_dim3A_115 : f32 to vector<16x16xf32>
      %swap3A_117 = arith.constant 0 : index
      %swap3A_118 = arith.constant 0 : index
      %swap3A_119 = vector.load %arg7[%swap3A_117, %swap3A_118] : memref<16x16xf32, #tpu.memory_space<vmem>>, vector<16x16xf32>
      tpu.vector_store %arg7[%swap3A_117, %swap3A_118], %broadcast_in_dim3A_116 {strides = array<i32>} : memref<16x16xf32, #tpu.memory_space<vmem>>, vector<16x16xf32>,
      %broadcast_in_dim3A_120 = arith.constant 0.000000e+00 : f32
      %broadcast_in_dim3A_121 = vector.broadcast %broadcast_in_dim3A_120 : f32 to vector<16x128xf32>
      %swap3A_122 = arith.constant 0 : index
      %swap3A_123 = arith.constant 0 : index
      %swap3A_124 = vector.load %arg8[%swap3A_122, %swap3A_123] : memref<16x128xf32, #tpu.memory_space<vmem>>, vector<16x128xf32>
      tpu.vector_store %arg8[%swap3A_122, %swap3A_123], %broadcast_in_dim3A_121 {strides = array<i32>} : memref<16x128xf32, #tpu.memory_space<vmem>>, vector<16x128xf32>,
      %broadcast_in_dim3A_125 = arith.constant 0.000000e+00 : f32
      %broadcast_in_dim3A_126 = vector.broadcast %broadcast_in_dim3A_125 : f32 to vector<128x128xf32>
      %swap3A_127 = arith.constant 0 : index
      %swap3A_128 = arith.constant 0 : index
      %swap3A_129 = vector.load %arg9[%swap3A_127, %swap3A_128] : memref<128x128xf32, #tpu.memory_space<vmem>>, vector<128x128xf32>
      tpu.vector_store %arg9[%swap3A_127, %swap3A_128], %broadcast_in_dim3A_126 {strides = array<i32>} : memref<128x128xf32, #tpu.memory_space<vmem>>, vector<128x128xf32>,
      %broadcast_in_dim3A_130 = arith.constant 0.000000e+00 : f32
      %broadcast_in_dim3A_131 = vector.broadcast %broadcast_in_dim3A_130 : f32 to vector<1x128xf32>
      %swap3A_132 = arith.constant 0 : index
      %swap3A_133 = arith.constant 0 : index
      %swap3A_134 = vector.load %arg10[%swap3A_132, %swap3A_133] : memref<1x128xf32, #tpu.memory_space<vmem>>, vector<1x128xf32>
      tpu.vector_store %arg10[%swap3A_132, %swap3A_133], %broadcast_in_dim3A_131 {strides = array<i32>} : memref<1x128xf32, #tpu.memory_space<vmem>>, vector<1x128xf32>,
      %broadcast_in_dim3A_135 = arith.constant 0.000000e+00 : f32
      %broadcast_in_dim3A_136 = vector.broadcast %broadcast_in_dim3A_135 : f32 to vector<1x16xf32>
      %swap3A_137 = arith.constant 0 : index
      %swap3A_138 = arith.constant 0 : index
      %swap3A_139 = vector.load %arg11[%swap3A_137, %swap3A_138] : memref<1x16xf32, #tpu.memory_space<vmem>>, vector<1x16xf32>
      tpu.vector_store %arg11[%swap3A_137, %swap3A_138], %broadcast_in_dim3A_136 {strides = array<i32>} : memref<1x16xf32, #tpu.memory_space<vmem>>, vector<1x16xf32>,
      %broadcast_in_dim3A_140 = arith.constant 0.000000e+00 : f32
      %broadcast_in_dim3A_141 = vector.broadcast %broadcast_in_dim3A_140 : f32 to vector<1x128xf32>
      %swap3A_142 = arith.constant 0 : index
      %swap3A_143 = arith.constant 0 : index
      %swap3A_144 = vector.load %arg12[%swap3A_142, %swap3A_143] : memref<1x128xf32, #tpu.memory_space<vmem>>, vector<1x128xf32>
      tpu.vector_store %arg12[%swap3A_142, %swap3A_143], %broadcast_in_dim3A_141 {strides = array<i32>} : memref<1x128xf32, #tpu.memory_space<vmem>>, vector<1x128xf32>,
    } else {
    }
    %get3A_17 = arith.constant 0 : index
    %get3A_18 = arith.constant 0 : index
    %get3A_19 = vector.load %arg4[%get3A_17, %get3A_18] : memref<128x128xf32, #tpu.memory_space<vmem>>, vector<128x128xf32>
    %dot_general3A = arith.constant dense<0.000000e+00> : vector<128x128xf32>
    %dot_general3A_20 = tpu.matmul %get3A_1, %get3A_1, %dot_general3A {dimension_numbers = #tpu.dot_dimension_numbers<[0], [0], [1], [1], [0, 1, 1, 1], [], []>, transpose_lhs_hint = false} : vector<6400x128xbf16>, vector<6400x128xbf16>, vector<128x128xf32> -> vector<128x128xf32>
    %add3A = arith.addf %get3A_19, %dot_general3A_20 : vector<128x128xf32>
    %swap3A = arith.constant 0 : index
    %swap3A_21 = arith.constant 0 : index
    %swap3A_22 = vector.load %arg4[%swap3A, %swap3A_21] : memref<128x128xf32, #tpu.memory_space<vmem>>, vector<128x128xf32>
    tpu.vector_store %arg4[%swap3A, %swap3A_21], %add3A {strides = array<i32>} : memref<128x128xf32, #tpu.memory_space<vmem>>, vector<128x128xf32>,
    %get3A_23 = arith.constant 0 : index
    %get3A_24 = arith.constant 0 : index
    %get3A_25 = vector.load %arg5[%get3A_23, %get3A_24] : memref<128x16xf32, #tpu.memory_space<vmem>>, vector<128x16xf32>
    %dot_general3A_26 = arith.constant dense<0.000000e+00> : vector<128x16xf32>
    %dot_general3A_27 = tpu.matmul %get3A_1, %get3A_4, %dot_general3A_26 {dimension_numbers = #tpu.dot_dimension_numbers<[0], [0], [1], [1], [0, 1, 1, 1], [], []>, transpose_lhs_hint = false} : vector<6400x128xbf16>, vector<6400x16xbf16>, vector<128x16xf32> -> vector<128x16xf32>
    %add3A_28 = arith.addf %get3A_25, %dot_general3A_27 : vector<128x16xf32>
    %swap3A_29 = arith.constant 0 : index
    %swap3A_30 = arith.constant 0 : index
    %swap3A_31 = vector.load %arg5[%swap3A_29, %swap3A_30] : memref<128x16xf32, #tpu.memory_space<vmem>>, vector<128x16xf32>
    tpu.vector_store %arg5[%swap3A_29, %swap3A_30], %add3A_28 {strides = array<i32>} : memref<128x16xf32, #tpu.memory_space<vmem>>, vector<128x16xf32>,
    %get3A_32 = arith.constant 0 : index
    %get3A_33 = arith.constant 0 : index
    %get3A_34 = vector.load %arg6[%get3A_32, %get3A_33] : memref<128x128xf32, #tpu.memory_space<vmem>>, vector<128x128xf32>
    %dot_general3A_35 = arith.constant dense<0.000000e+00> : vector<128x128xf32>
    %dot_general3A_36 = tpu.matmul %reduce_sum3A_8, %get3A_7, %dot_general3A_35 {dimension_numbers = #tpu.dot_dimension_numbers<[0], [0], [1], [1], [0, 1, 1, 1], [], []>, transpose_lhs_hint = false} : vector<200x128xf32>, vector<200x128xf32>, vector<128x128xf32> -> vector<128x128xf32>
    %add3A_37 = arith.addf %get3A_34, %dot_general3A_36 : vector<128x128xf32>
    %swap3A_38 = arith.constant 0 : index
    %swap3A_39 = arith.constant 0 : index
    %swap3A_40 = vector.load %arg6[%swap3A_38, %swap3A_39] : memref<128x128xf32, #tpu.memory_space<vmem>>, vector<128x128xf32>
    tpu.vector_store %arg6[%swap3A_38, %swap3A_39], %add3A_37 {strides = array<i32>} : memref<128x128xf32, #tpu.memory_space<vmem>>, vector<128x128xf32>,
    %get3A_41 = arith.constant 0 : index
    %get3A_42 = arith.constant 0 : index
    %get3A_43 = vector.load %arg7[%get3A_41, %get3A_42] : memref<16x16xf32, #tpu.memory_space<vmem>>, vector<16x16xf32>
    %dot_general3A_44 = arith.constant dense<0.000000e+00> : vector<16x16xf32>
    %dot_general3A_45 = tpu.matmul %get3A_4, %get3A_4, %dot_general3A_44 {dimension_numbers = #tpu.dot_dimension_numbers<[0], [0], [1], [1], [0, 1, 1, 1], [], []>, transpose_lhs_hint = false} : vector<6400x16xbf16>, vector<6400x16xbf16>, vector<16x16xf32> -> vector<16x16xf32>
    %add3A_46 = arith.addf %get3A_43, %dot_general3A_45 : vector<16x16xf32>
    %swap3A_47 = arith.constant 0 : index
    %swap3A_48 = arith.constant 0 : index
    %swap3A_49 = vector.load %arg7[%swap3A_47, %swap3A_48] : memref<16x16xf32, #tpu.memory_space<vmem>>, vector<16x16xf32>
    tpu.vector_store %arg7[%swap3A_47, %swap3A_48], %add3A_46 {strides = array<i32>} : memref<16x16xf32, #tpu.memory_space<vmem>>, vector<16x16xf32>,
    %get3A_50 = arith.constant 0 : index
    %get3A_51 = arith.constant 0 : index
    %get3A_52 = vector.load %arg8[%get3A_50, %get3A_51] : memref<16x128xf32, #tpu.memory_space<vmem>>, vector<16x128xf32>
    %dot_general3A_53 = arith.constant dense<0.000000e+00> : vector<16x128xf32>
    %dot_general3A_54 = tpu.matmul %convert_element_type3A_13, %get3A_7, %dot_general3A_53 {dimension_numbers = #tpu.dot_dimension_numbers<[0], [0], [1], [1], [0, 1, 1, 1], [], []>, transpose_lhs_hint = false} : vector<200x16xbf16>, vector<200x128xf32>, vector<16x128xf32> -> vector<16x128xf32>
    %add3A_55 = arith.addf %get3A_52, %dot_general3A_54 : vector<16x128xf32>
    %swap3A_56 = arith.constant 0 : index
    %swap3A_57 = arith.constant 0 : index
    %swap3A_58 = vector.load %arg8[%swap3A_56, %swap3A_57] : memref<16x128xf32, #tpu.memory_space<vmem>>, vector<16x128xf32>
    tpu.vector_store %arg8[%swap3A_56, %swap3A_57], %add3A_55 {strides = array<i32>} : memref<16x128xf32, #tpu.memory_space<vmem>>, vector<16x128xf32>,
    %get3A_59 = arith.constant 0 : index
    %get3A_60 = arith.constant 0 : index
    %get3A_61 = vector.load %arg9[%get3A_59, %get3A_60] : memref<128x128xf32, #tpu.memory_space<vmem>>, vector<128x128xf32>
    %dot_general3A_62 = arith.constant dense<0.000000e+00> : vector<128x128xf32>
    %dot_general3A_63 = tpu.matmul %get3A_7, %get3A_7, %dot_general3A_62 {dimension_numbers = #tpu.dot_dimension_numbers<[0], [0], [1], [1], [0, 1, 1, 1], [], []>, transpose_lhs_hint = false} : vector<200x128xf32>, vector<200x128xf32>, vector<128x128xf32> -> vector<128x128xf32>
    %add3A_64 = arith.addf %get3A_61, %dot_general3A_63 : vector<128x128xf32>
    %swap3A_65 = arith.constant 0 : index
    %swap3A_66 = arith.constant 0 : index
    %swap3A_67 = vector.load %arg9[%swap3A_65, %swap3A_66] : memref<128x128xf32, #tpu.memory_space<vmem>>, vector<128x128xf32>
    tpu.vector_store %arg9[%swap3A_65, %swap3A_66], %add3A_64 {strides = array<i32>} : memref<128x128xf32, #tpu.memory_space<vmem>>, vector<128x128xf32>,
    %get3A_68 = arith.constant 0 : index
    %get3A_69 = arith.constant 0 : index
    %get3A_70 = vector.load %arg10[%get3A_68, %get3A_69] : memref<1x128xf32, #tpu.memory_space<vmem>>, vector<1x128xf32>
    %reduce_sum3A_71 = arith.constant dense<0.000000e+00> : vector<128xf32>
    %reduce_sum3A_72 = vector.multi_reduction <add>, %reduce_sum3A_8, %reduce_sum3A_71 [0] : vector<200x128xf32> to vector<128xf32>
    %broadcast_in_dim3A = vector.shape_cast %reduce_sum3A_72 : vector<128xf32> to vector<1x128xf32>
    %add3A_73 = arith.addf %get3A_70, %broadcast_in_dim3A : vector<1x128xf32>
    %swap3A_74 = arith.constant 0 : index
    %swap3A_75 = arith.constant 0 : index
    %swap3A_76 = vector.load %arg10[%swap3A_74, %swap3A_75] : memref<1x128xf32, #tpu.memory_space<vmem>>, vector<1x128xf32>
    tpu.vector_store %arg10[%swap3A_74, %swap3A_75], %add3A_73 {strides = array<i32>} : memref<1x128xf32, #tpu.memory_space<vmem>>, vector<1x128xf32>,
    %get3A_77 = arith.constant 0 : index
    %get3A_78 = arith.constant 0 : index
    %get3A_79 = vector.load %arg11[%get3A_77, %get3A_78] : memref<1x16xf32, #tpu.memory_space<vmem>>, vector<1x16xf32>
    %convert_element_type3A_80 = arith.extf %convert_element_type3A_13 : vector<200x16xbf16> to vector<200x16xf32>
    %reduce_sum3A_81 = arith.constant dense<0.000000e+00> : vector<16xf32>
    %reduce_sum3A_82 = vector.multi_reduction <add>, %convert_element_type3A_80, %reduce_sum3A_81 [0] : vector<200x16xf32> to vector<16xf32>
    %convert_element_type3A_83 = arith.truncf %reduce_sum3A_82 : vector<16xf32> to vector<16xbf16>
    %broadcast_in_dim3A_84 = vector.shape_cast %convert_element_type3A_83 : vector<16xbf16> to vector<1x16xbf16>
    %convert_element_type3A_85 = arith.extf %broadcast_in_dim3A_84 : vector<1x16xbf16> to vector<1x16xf32>
    %add3A_86 = arith.addf %get3A_79, %convert_element_type3A_85 : vector<1x16xf32>
    %swap3A_87 = arith.constant 0 : index
    %swap3A_88 = arith.constant 0 : index
    %swap3A_89 = vector.load %arg11[%swap3A_87, %swap3A_88] : memref<1x16xf32, #tpu.memory_space<vmem>>, vector<1x16xf32>
    tpu.vector_store %arg11[%swap3A_87, %swap3A_88], %add3A_86 {strides = array<i32>} : memref<1x16xf32, #tpu.memory_space<vmem>>, vector<1x16xf32>,
    %get3A_90 = arith.constant 0 : index
    %get3A_91 = arith.constant 0 : index
    %get3A_92 = vector.load %arg12[%get3A_90, %get3A_91] : memref<1x128xf32, #tpu.memory_space<vmem>>, vector<1x128xf32>
    %reduce_sum3A_93 = arith.constant dense<0.000000e+00> : vector<128xf32>
    %reduce_sum3A_94 = vector.multi_reduction <add>, %get3A_7, %reduce_sum3A_93 [0] : vector<200x128xf32> to vector<128xf32>
    %broadcast_in_dim3A_95 = vector.shape_cast %reduce_sum3A_94 : vector<128xf32> to vector<1x128xf32>
    %add3A_96 = arith.addf %get3A_92, %broadcast_in_dim3A_95 : vector<1x128xf32>
    %swap3A_97 = arith.constant 0 : index
    %swap3A_98 = arith.constant 0 : index
    %swap3A_99 = vector.load %arg12[%swap3A_97, %swap3A_98] : memref<1x128xf32, #tpu.memory_space<vmem>>, vector<1x128xf32>
    tpu.vector_store %arg12[%swap3A_97, %swap3A_98], %add3A_96 {strides = array<i32>} : memref<1x128xf32, #tpu.memory_space<vmem>>, vector<1x128xf32>,
    return
  }
  func.func @transform_0(%arg0: i32) -> (i32, i32) {
    %c0_i32 = arith.constant 0 : i32
    %c0_i32_0 = arith.constant 0 : i32
    return %arg0, %c0_i32 : i32, i32
  }
  func.func @transform_1(%arg0: i32) -> (i32, i32) {
    %c0_i32 = arith.constant 0 : i32
    %c0_i32_0 = arith.constant 0 : i32
    return %arg0, %c0_i32 : i32, i32
  }
  func.func @transform_2(%arg0: i32) -> (i32, i32) {
    %c0_i32 = arith.constant 0 : i32
    %c0_i32_0 = arith.constant 0 : i32
    return %arg0, %c0_i32 : i32, i32
  }
  func.func @transform_3(%arg0: i32) -> (i32, i32) {
    %c0_i32 = arith.constant 0 : i32
    %c0_i32_0 = arith.constant 0 : i32
    %c0_i32_1 = arith.constant 0 : i32
    return %c0_i32, %c0_i32_0 : i32, i32
  }
  func.func @transform_4(%arg0: i32) -> (i32, i32) {
    %c0_i32 = arith.constant 0 : i32
    %c0_i32_0 = arith.constant 0 : i32
    %c0_i32_1 = arith.constant 0 : i32
    return %c0_i32, %c0_i32_0 : i32, i32
  }
  func.func @transform_5(%arg0: i32) -> (i32, i32) {
    %c0_i32 = arith.constant 0 : i32
    %c0_i32_0 = arith.constant 0 : i32
    %c0_i32_1 = arith.constant 0 : i32
    return %c0_i32, %c0_i32_0 : i32, i32
  }
  func.func @transform_6(%arg0: i32) -> (i32, i32) {
    %c0_i32 = arith.constant 0 : i32
    %c0_i32_0 = arith.constant 0 : i32
    %c0_i32_1 = arith.constant 0 : i32
    return %c0_i32, %c0_i32_0 : i32, i32
  }
  func.func @transform_7(%arg0: i32) -> (i32, i32) {
    %c0_i32 = arith.constant 0 : i32
    %c0_i32_0 = arith.constant 0 : i32
    %c0_i32_1 = arith.constant 0 : i32
    return %c0_i32, %c0_i32_0 : i32, i32
  }
  func.func @transform_8(%arg0: i32) -> (i32, i32) {
    %c0_i32 = arith.constant 0 : i32
    %c0_i32_0 = arith.constant 0 : i32
    %c0_i32_1 = arith.constant 0 : i32
    return %c0_i32, %c0_i32_0 : i32, i32
  }
  func.func @transform_9(%arg0: i32) -> (i32, i32) {
    %c0_i32 = arith.constant 0 : i32
    %c0_i32_0 = arith.constant 0 : i32
    %c0_i32_1 = arith.constant 0 : i32
    return %c0_i32, %c0_i32_0 : i32, i32
  }
  func.func @transform_10(%arg0: i32) -> (i32, i32) {
    %c0_i32 = arith.constant 0 : i32
    %c0_i32_0 = arith.constant 0 : i32
    %c0_i32_1 = arith.constant 0 : i32
    return %c0_i32, %c0_i32_0 : i32, i32
  }
  func.func @transform_11(%arg0: i32) -> (i32, i32) {
    %c0_i32 = arith.constant 0 : i32
    %c0_i32_0 = arith.constant 0 : i32
    %c0_i32_1 = arith.constant 0 : i32
    return %c0_i32, %c0_i32_0 : i32, i32
  }
}

module attributes {stable_mosaic.version = 14 : i64} {
  func.func @_p2_body(%arg0: i32, %arg1: memref<6400x128xbf16, #tpu.memory_space<vmem>>, %arg2: memref<6400x16xbf16, #tpu.memory_space<vmem>>, %arg3: memref<200x128xf32, #tpu.memory_space<vmem>>, %arg4: memref<128x768xf32, #tpu.memory_space<vmem>>, %arg5: memref<128x768xf32, #tpu.memory_space<vmem>>, %arg6: memref<16x768xf32, #tpu.memory_space<vmem>>, %arg7: memref<1x768xf32, #tpu.memory_space<vmem>>, %arg8: memref<1x768xf32, #tpu.memory_space<vmem>>, %arg9: memref<128x128xf32, #tpu.memory_space<vmem>>, %arg10: memref<128x16xf32, #tpu.memory_space<vmem>>, %arg11: memref<128x128xf32, #tpu.memory_space<vmem>>, %arg12: memref<16x16xf32, #tpu.memory_space<vmem>>, %arg13: memref<16x128xf32, #tpu.memory_space<vmem>>, %arg14: memref<128x128xf32, #tpu.memory_space<vmem>>, %arg15: memref<1x128xf32, #tpu.memory_space<vmem>>, %arg16: memref<1x16xf32, #tpu.memory_space<vmem>>, %arg17: memref<1x128xf32, #tpu.memory_space<vmem>>, %arg18: memref<6400x256xbf16, #tpu.memory_space<vmem>>, %arg19: memref<200x6400xbf16, #tpu.memory_space<vmem>>, %arg20: memref<200x384xf32, #tpu.memory_space<vmem>>, %arg21: memref<1x384xf32, #tpu.memory_space<vmem>>, %arg22: memref<1x384xf32, #tpu.memory_space<vmem>>, %arg23: memref<128x768xbf16, #tpu.memory_space<vmem>>, %arg24: memref<128x768xf32, #tpu.memory_space<vmem>>, %arg25: memref<16x768xbf16, #tpu.memory_space<vmem>>, %arg26: memref<1x768xf32, #tpu.memory_space<vmem>>) attributes {dimension_semantics = [#tpu.dimension_semantics<arbitrary>], iteration_bounds = array<i64: 50>, scalar_prefetch = 0 : i64, scratch_operands = 4 : i64, tpu.core_type = #tpu.core_type<tc>, window_params = [{transform_indices = @transform_0, window_bounds = array<i64: 6400, 128>}, {transform_indices = @transform_1, window_bounds = array<i64: 6400, 16>}, {transform_indices = @transform_2, window_bounds = array<i64: 200, 128>}, {pipeline_mode = #tpu.pipeline_mode<synchronous>, transform_indices = @transform_3, window_bounds = array<i64: 128, 768>}, {pipeline_mode = #tpu.pipeline_mode<synchronous>, transform_indices = @transform_4, window_bounds = array<i64: 128, 768>}, {pipeline_mode = #tpu.pipeline_mode<synchronous>, transform_indices = @transform_5, window_bounds = array<i64: 16, 768>}, {pipeline_mode = #tpu.pipeline_mode<synchronous>, transform_indices = @transform_6, window_bounds = array<i64: 1, 768>}, {pipeline_mode = #tpu.pipeline_mode<synchronous>, transform_indices = @transform_7, window_bounds = array<i64: 1, 768>}, {pipeline_mode = #tpu.pipeline_mode<synchronous>, transform_indices = @transform_8, window_bounds = array<i64: 128, 128>}, {pipeline_mode = #tpu.pipeline_mode<synchronous>, transform_indices = @transform_9, window_bounds = array<i64: 128, 16>}, {pipeline_mode = #tpu.pipeline_mode<synchronous>, transform_indices = @transform_10, window_bounds = array<i64: 128, 128>}, {pipeline_mode = #tpu.pipeline_mode<synchronous>, transform_indices = @transform_11, window_bounds = array<i64: 16, 16>}, {pipeline_mode = #tpu.pipeline_mode<synchronous>, transform_indices = @transform_12, window_bounds = array<i64: 16, 128>}, {pipeline_mode = #tpu.pipeline_mode<synchronous>, transform_indices = @transform_13, window_bounds = array<i64: 128, 128>}, {pipeline_mode = #tpu.pipeline_mode<synchronous>, transform_indices = @transform_14, window_bounds = array<i64: 1, 128>}, {pipeline_mode = #tpu.pipeline_mode<synchronous>, transform_indices = @transform_15, window_bounds = array<i64: 1, 16>}, {pipeline_mode = #tpu.pipeline_mode<synchronous>, transform_indices = @transform_16, window_bounds = array<i64: 1, 128>}, {pipeline_mode = #tpu.pipeline_mode<synchronous>, transform_indices = @transform_17, window_bounds = array<i64: 6400, 256>}, {pipeline_mode = #tpu.pipeline_mode<synchronous>, transform_indices = @transform_18, window_bounds = array<i64: 200, 6400>}, {transform_indices = @transform_19, window_bounds = array<i64: 200, 384>}, {pipeline_mode = #tpu.pipeline_mode<synchronous>, transform_indices = @transform_20, window_bounds = array<i64: 1, 384>}, {pipeline_mode = #tpu.pipeline_mode<synchronous>, transform_indices = @transform_21, window_bounds = array<i64: 1, 384>}]} {
    %eq3A = arith.constant 0 : i32
    %eq3A_0 = arith.cmpi eq, %arg0, %eq3A : i32
    %convert_element_type3A = arith.extui %eq3A_0 : i1 to i32
    %cond3A = arith.constant 0 : i32
    %cond3A_1 = arith.cmpi ne, %convert_element_type3A, %cond3A : i32
    scf.if %cond3A_1 {
      %get3A_217 = arith.constant 0 : index
      %get3A_218 = arith.constant 0 : index
      %get3A_219 = vector.load %arg4[%get3A_217, %get3A_218] : memref<128x768xf32, #tpu.memory_space<vmem>>, vector<128x768xf32>
      %get3A_220 = arith.constant 0 : index
      %get3A_221 = arith.constant 0 : index
      %get3A_222 = vector.load %arg5[%get3A_220, %get3A_221] : memref<128x768xf32, #tpu.memory_space<vmem>>, vector<128x768xf32>
      %get3A_223 = arith.constant 0 : index
      %get3A_224 = arith.constant 0 : index
      %get3A_225 = vector.load %arg6[%get3A_223, %get3A_224] : memref<16x768xf32, #tpu.memory_space<vmem>>, vector<16x768xf32>
      %get3A_226 = arith.constant 0 : index
      %get3A_227 = arith.constant 0 : index
      %get3A_228 = vector.load %arg17[%get3A_226, %get3A_227] : memref<1x128xf32, #tpu.memory_space<vmem>>, vector<1x128xf32>
      %dot_general3A_229 = arith.constant dense<0.000000e+00> : vector<1x768xf32>
      %dot_general3A_230 = tpu.matmul %get3A_228, %get3A_222, %dot_general3A_229 {dimension_numbers = #tpu.dot_dimension_numbers<[1], [0], [0], [1], [0, 0, 1, 1], [], []>, transpose_lhs_hint = false} : vector<1x128xf32>, vector<128x768xf32>, vector<1x768xf32> -> vector<1x768xf32>
      %mul3A_231 = arith.constant 3.200000e+01 : f32
      %mul3A_232 = vector.broadcast %mul3A_231 : f32 to vector<1x768xf32>
      %mul3A_233 = arith.mulf %mul3A_232, %dot_general3A_230 : vector<1x768xf32>
      %get3A_234 = arith.constant 0 : index
      %get3A_235 = arith.constant 0 : index
      %get3A_236 = vector.load %arg15[%get3A_234, %get3A_235] : memref<1x128xf32, #tpu.memory_space<vmem>>, vector<1x128xf32>
      %dot_general3A_237 = arith.constant dense<0.000000e+00> : vector<1x768xf32>
      %dot_general3A_238 = tpu.matmul %get3A_236, %get3A_219, %dot_general3A_237 {dimension_numbers = #tpu.dot_dimension_numbers<[1], [0], [0], [1], [0, 0, 1, 1], [], []>, transpose_lhs_hint = false} : vector<1x128xf32>, vector<128x768xf32>, vector<1x768xf32> -> vector<1x768xf32>
      %add3A_239 = arith.addf %mul3A_233, %dot_general3A_238 : vector<1x768xf32>
      %get3A_240 = arith.constant 0 : index
      %get3A_241 = arith.constant 0 : index
      %get3A_242 = vector.load %arg16[%get3A_240, %get3A_241] : memref<1x16xf32, #tpu.memory_space<vmem>>, vector<1x16xf32>
      %dot_general3A_243 = arith.constant dense<0.000000e+00> : vector<1x768xf32>
      %dot_general3A_244 = tpu.matmul %get3A_242, %get3A_225, %dot_general3A_243 {dimension_numbers = #tpu.dot_dimension_numbers<[1], [0], [0], [1], [0, 0, 1, 1], [], []>, transpose_lhs_hint = false} : vector<1x16xf32>, vector<16x768xf32>, vector<1x768xf32> -> vector<1x768xf32>
      %add3A_245 = arith.addf %add3A_239, %dot_general3A_244 : vector<1x768xf32>
      %div3A_246 = arith.constant 3.200000e+05 : f32
      %div3A_247 = vector.broadcast %div3A_246 : f32 to vector<1x768xf32>
      %div3A_248 = arith.divf %add3A_245, %div3A_247 : vector<1x768xf32>
      %get3A_249 = arith.constant 0 : index
      %get3A_250 = arith.constant 0 : index
      %get3A_251 = vector.load %arg14[%get3A_249, %get3A_250] : memref<128x128xf32, #tpu.memory_space<vmem>>, vector<128x128xf32>
      %dot_general3A_252 = arith.constant dense<0.000000e+00> : vector<128x768xf32>
      %dot_general3A_253 = tpu.matmul %get3A_251, %get3A_222, %dot_general3A_252 {dimension_numbers = #tpu.dot_dimension_numbers<[1], [0], [0], [1], [0, 0, 1, 1], [], []>, transpose_lhs_hint = false} : vector<128x128xf32>, vector<128x768xf32>, vector<128x768xf32> -> vector<128x768xf32>
      %mul3A_254 = arith.mulf %get3A_222, %dot_general3A_253 : vector<128x768xf32>
      %reduce_sum3A_255 = arith.constant dense<0.000000e+00> : vector<768xf32>
      %reduce_sum3A_256 = vector.multi_reduction <add>, %mul3A_254, %reduce_sum3A_255 [0] : vector<128x768xf32> to vector<768xf32>
      %mul3A_257 = arith.constant 3.200000e+01 : f32
      %mul3A_258 = vector.broadcast %mul3A_257 : f32 to vector<768xf32>
      %mul3A_259 = arith.mulf %mul3A_258, %reduce_sum3A_256 : vector<768xf32>
      %get3A_260 = arith.constant 0 : index
      %get3A_261 = arith.constant 0 : index
      %get3A_262 = vector.load %arg9[%get3A_260, %get3A_261] : memref<128x128xf32, #tpu.memory_space<vmem>>, vector<128x128xf32>
      %dot_general3A_263 = arith.constant dense<0.000000e+00> : vector<128x768xf32>
      %dot_general3A_264 = tpu.matmul %get3A_262, %get3A_219, %dot_general3A_263 {dimension_numbers = #tpu.dot_dimension_numbers<[1], [0], [0], [1], [0, 0, 1, 1], [], []>, transpose_lhs_hint = false} : vector<128x128xf32>, vector<128x768xf32>, vector<128x768xf32> -> vector<128x768xf32>
      %mul3A_265 = arith.mulf %get3A_219, %dot_general3A_264 : vector<128x768xf32>
      %reduce_sum3A_266 = arith.constant dense<0.000000e+00> : vector<768xf32>
      %reduce_sum3A_267 = vector.multi_reduction <add>, %mul3A_265, %reduce_sum3A_266 [0] : vector<128x768xf32> to vector<768xf32>
      %add3A_268 = arith.addf %mul3A_259, %reduce_sum3A_267 : vector<768xf32>
      %get3A_269 = arith.constant 0 : index
      %get3A_270 = arith.constant 0 : index
      %get3A_271 = vector.load %arg12[%get3A_269, %get3A_270] : memref<16x16xf32, #tpu.memory_space<vmem>>, vector<16x16xf32>
      %dot_general3A_272 = arith.constant dense<0.000000e+00> : vector<16x768xf32>
      %dot_general3A_273 = tpu.matmul %get3A_271, %get3A_225, %dot_general3A_272 {dimension_numbers = #tpu.dot_dimension_numbers<[1], [0], [0], [1], [0, 0, 1, 1], [], []>, transpose_lhs_hint = false} : vector<16x16xf32>, vector<16x768xf32>, vector<16x768xf32> -> vector<16x768xf32>
      %mul3A_274 = arith.mulf %get3A_225, %dot_general3A_273 : vector<16x768xf32>
      %reduce_sum3A_275 = arith.constant dense<0.000000e+00> : vector<768xf32>
      %reduce_sum3A_276 = vector.multi_reduction <add>, %mul3A_274, %reduce_sum3A_275 [0] : vector<16x768xf32> to vector<768xf32>
      %add3A_277 = arith.addf %add3A_268, %reduce_sum3A_276 : vector<768xf32>
      %get3A_278 = arith.constant 0 : index
      %get3A_279 = arith.constant 0 : index
      %get3A_280 = vector.load %arg11[%get3A_278, %get3A_279] : memref<128x128xf32, #tpu.memory_space<vmem>>, vector<128x128xf32>
      %dot_general3A_281 = arith.constant dense<0.000000e+00> : vector<128x768xf32>
      %dot_general3A_282 = tpu.matmul %get3A_280, %get3A_222, %dot_general3A_281 {dimension_numbers = #tpu.dot_dimension_numbers<[1], [0], [0], [1], [0, 0, 1, 1], [], []>, transpose_lhs_hint = false} : vector<128x128xf32>, vector<128x768xf32>, vector<128x768xf32> -> vector<128x768xf32>
      %mul3A_283 = arith.mulf %get3A_219, %dot_general3A_282 : vector<128x768xf32>
      %reduce_sum3A_284 = arith.constant dense<0.000000e+00> : vector<768xf32>
      %reduce_sum3A_285 = vector.multi_reduction <add>, %mul3A_283, %reduce_sum3A_284 [0] : vector<128x768xf32> to vector<768xf32>
      %mul3A_286 = arith.constant 2.000000e+00 : f32
      %mul3A_287 = vector.broadcast %mul3A_286 : f32 to vector<768xf32>
      %mul3A_288 = arith.mulf %mul3A_287, %reduce_sum3A_285 : vector<768xf32>
      %add3A_289 = arith.addf %add3A_277, %mul3A_288 : vector<768xf32>
      %get3A_290 = arith.constant 0 : index
      %get3A_291 = arith.constant 0 : index
      %get3A_292 = vector.load %arg13[%get3A_290, %get3A_291] : memref<16x128xf32, #tpu.memory_space<vmem>>, vector<16x128xf32>
      %dot_general3A_293 = arith.constant dense<0.000000e+00> : vector<16x768xf32>
      %dot_general3A_294 = tpu.matmul %get3A_292, %get3A_222, %dot_general3A_293 {dimension_numbers = #tpu.dot_dimension_numbers<[1], [0], [0], [1], [0, 0, 1, 1], [], []>, transpose_lhs_hint = false} : vector<16x128xf32>, vector<128x768xf32>, vector<16x768xf32> -> vector<16x768xf32>
      %mul3A_295 = arith.mulf %get3A_225, %dot_general3A_294 : vector<16x768xf32>
      %reduce_sum3A_296 = arith.constant dense<0.000000e+00> : vector<768xf32>
      %reduce_sum3A_297 = vector.multi_reduction <add>, %mul3A_295, %reduce_sum3A_296 [0] : vector<16x768xf32> to vector<768xf32>
      %mul3A_298 = arith.constant 2.000000e+00 : f32
      %mul3A_299 = vector.broadcast %mul3A_298 : f32 to vector<768xf32>
      %mul3A_300 = arith.mulf %mul3A_299, %reduce_sum3A_297 : vector<768xf32>
      %add3A_301 = arith.addf %add3A_289, %mul3A_300 : vector<768xf32>
      %get3A_302 = arith.constant 0 : index
      %get3A_303 = arith.constant 0 : index
      %get3A_304 = vector.load %arg10[%get3A_302, %get3A_303] : memref<128x16xf32, #tpu.memory_space<vmem>>, vector<128x16xf32>
      %dot_general3A_305 = arith.constant dense<0.000000e+00> : vector<128x768xf32>
      %dot_general3A_306 = tpu.matmul %get3A_304, %get3A_225, %dot_general3A_305 {dimension_numbers = #tpu.dot_dimension_numbers<[1], [0], [0], [1], [0, 0, 1, 1], [], []>, transpose_lhs_hint = false} : vector<128x16xf32>, vector<16x768xf32>, vector<128x768xf32> -> vector<128x768xf32>
      %mul3A_307 = arith.mulf %get3A_219, %dot_general3A_306 : vector<128x768xf32>
      %reduce_sum3A_308 = arith.constant dense<0.000000e+00> : vector<768xf32>
      %reduce_sum3A_309 = vector.multi_reduction <add>, %mul3A_307, %reduce_sum3A_308 [0] : vector<128x768xf32> to vector<768xf32>
      %mul3A_310 = arith.constant 2.000000e+00 : f32
      %mul3A_311 = vector.broadcast %mul3A_310 : f32 to vector<768xf32>
      %mul3A_312 = arith.mulf %mul3A_311, %reduce_sum3A_309 : vector<768xf32>
      %add3A_313 = arith.addf %add3A_301, %mul3A_312 : vector<768xf32>
      %broadcast_in_dim3A_314 = vector.shape_cast %add3A_313 : vector<768xf32> to vector<1x768xf32>
      %div3A_315 = arith.constant 3.200000e+05 : f32
      %div3A_316 = vector.broadcast %div3A_315 : f32 to vector<1x768xf32>
      %div3A_317 = arith.divf %broadcast_in_dim3A_314, %div3A_316 : vector<1x768xf32>
      %mul3A_318 = arith.mulf %div3A_248, %div3A_248 : vector<1x768xf32>
      %sub3A = arith.subf %div3A_317, %mul3A_318 : vector<1x768xf32>
      %get3A_319 = arith.constant 0 : index
      %get3A_320 = arith.constant 0 : index
      %get3A_321 = vector.load %arg7[%get3A_319, %get3A_320] : memref<1x768xf32, #tpu.memory_space<vmem>>, vector<1x768xf32>
      %add3A_322 = arith.constant 9.99999974E-6 : f32
      %add3A_323 = vector.broadcast %add3A_322 : f32 to vector<1x768xf32>
      %add3A_324 = arith.addf %sub3A, %add3A_323 : vector<1x768xf32>
      %rsqrt3A = math.rsqrt %add3A_324 : vector<1x768xf32>
      %mul3A_325 = arith.mulf %get3A_321, %rsqrt3A : vector<1x768xf32>
      %get3A_326 = arith.constant 0 : index
      %get3A_327 = arith.constant 0 : index
      %get3A_328 = vector.load %arg8[%get3A_326, %get3A_327] : memref<1x768xf32, #tpu.memory_space<vmem>>, vector<1x768xf32>
      %mul3A_329 = arith.mulf %div3A_248, %mul3A_325 : vector<1x768xf32>
      %sub3A_330 = arith.subf %get3A_328, %mul3A_329 : vector<1x768xf32>
      %swap3A_331 = arith.constant 0 : index
      %swap3A_332 = arith.constant 0 : index
      %swap3A_333 = vector.load %arg26[%swap3A_331, %swap3A_332] : memref<1x768xf32, #tpu.memory_space<vmem>>, vector<1x768xf32>
      tpu.vector_store %arg26[%swap3A_331, %swap3A_332], %sub3A_330 {strides = array<i32>} : memref<1x768xf32, #tpu.memory_space<vmem>>, vector<1x768xf32>,
      %mul3A_334 = vector.broadcast %mul3A_325 : vector<1x768xf32> to vector<128x768xf32>
      %mul3A_335 = arith.mulf %get3A_219, %mul3A_334 : vector<128x768xf32>
      %convert_element_type3A_336 = arith.truncf %mul3A_335 : vector<128x768xf32> to vector<128x768xbf16>
      %swap3A_337 = arith.constant 0 : index
      %swap3A_338 = arith.constant 0 : index
      %swap3A_339 = vector.load %arg23[%swap3A_337, %swap3A_338] : memref<128x768xbf16, #tpu.memory_space<vmem>>, vector<128x768xbf16>
      tpu.vector_store %arg23[%swap3A_337, %swap3A_338], %convert_element_type3A_336 {strides = array<i32>} : memref<128x768xbf16, #tpu.memory_space<vmem>>, vector<128x768xbf16>,
      %mul3A_340 = vector.broadcast %mul3A_325 : vector<1x768xf32> to vector<128x768xf32>
      %mul3A_341 = arith.mulf %get3A_222, %mul3A_340 : vector<128x768xf32>
      %swap3A_342 = arith.constant 0 : index
      %swap3A_343 = arith.constant 0 : index
      %swap3A_344 = vector.load %arg24[%swap3A_342, %swap3A_343] : memref<128x768xf32, #tpu.memory_space<vmem>>, vector<128x768xf32>
      tpu.vector_store %arg24[%swap3A_342, %swap3A_343], %mul3A_341 {strides = array<i32>} : memref<128x768xf32, #tpu.memory_space<vmem>>, vector<128x768xf32>,
      %mul3A_345 = vector.broadcast %mul3A_325 : vector<1x768xf32> to vector<16x768xf32>
      %mul3A_346 = arith.mulf %get3A_225, %mul3A_345 : vector<16x768xf32>
      %convert_element_type3A_347 = arith.truncf %mul3A_346 : vector<16x768xf32> to vector<16x768xbf16>
      %swap3A_348 = arith.constant 0 : index
      %swap3A_349 = arith.constant 0 : index
      %swap3A_350 = vector.load %arg25[%swap3A_348, %swap3A_349] : memref<16x768xbf16, #tpu.memory_space<vmem>>, vector<16x768xbf16>
      tpu.vector_store %arg25[%swap3A_348, %swap3A_349], %convert_element_type3A_347 {strides = array<i32>} : memref<16x768xbf16, #tpu.memory_space<vmem>>, vector<16x768xbf16>,
    } else {
    }
    %get3A = arith.constant 0 : index
    %get3A_2 = arith.constant 0 : index
    %get3A_3 = vector.load %arg3[%get3A, %get3A_2] : memref<200x128xf32, #tpu.memory_space<vmem>>, vector<200x128xf32>
    %get3A_4 = arith.constant 0 : index
    %get3A_5 = arith.constant 0 : index
    %get3A_6 = vector.load %arg24[%get3A_4, %get3A_5] : memref<128x768xf32, #tpu.memory_space<vmem>>, vector<128x768xf32>
    %dot_general3A = arith.constant dense<0.000000e+00> : vector<200x768xf32>
    %dot_general3A_7 = tpu.matmul %get3A_3, %get3A_6, %dot_general3A {dimension_numbers = #tpu.dot_dimension_numbers<[1], [0], [0], [1], [0, 0, 1, 1], [], []>, transpose_lhs_hint = false} : vector<200x128xf32>, vector<128x768xf32>, vector<200x768xf32> -> vector<200x768xf32>
    %get3A_8 = arith.constant 0 : index
    %get3A_9 = arith.constant 0 : index
    %get3A_10 = vector.load %arg26[%get3A_8, %get3A_9] : memref<1x768xf32, #tpu.memory_space<vmem>>, vector<1x768xf32>
    %add3A = vector.broadcast %get3A_10 : vector<1x768xf32> to vector<200x768xf32>
    %add3A_11 = arith.addf %dot_general3A_7, %add3A : vector<200x768xf32>
    %get3A_12 = arith.constant 0 : index
    %get3A_13 = arith.constant 0 : index
    %get3A_14 = vector.load %arg23[%get3A_12, %get3A_13] : memref<128x768xbf16, #tpu.memory_space<vmem>>, vector<128x768xbf16>
    %convert_element_type3A_15 = arith.truncf %add3A_11 : vector<200x768xf32> to vector<200x768xbf16>
    %broadcast_in_dim3A = arith.constant 0.000000e+00 : bf16
    %broadcast_in_dim3A_16 = vector.broadcast %broadcast_in_dim3A : bf16 to vector<56x768xbf16>
    %get3A_17 = arith.constant 0 : index
    %get3A_18 = arith.constant 0 : index
    %get3A_19 = vector.load %arg25[%get3A_17, %get3A_18] : memref<16x768xbf16, #tpu.memory_space<vmem>>, vector<16x768xbf16>
    %concatenate3A = tpu.concatenate %get3A_14, %convert_element_type3A_15, %broadcast_in_dim3A_16, %get3A_19 in 0 : vector<128x768xbf16>, vector<200x768xbf16>, vector<56x768xbf16>, vector<16x768xbf16> -> vector<400x768xbf16>
    %get3A_20 = arith.constant 0 : index
    %get3A_21 = arith.constant 0 : index
    %get3A_22 = vector.load %arg1[%get3A_20, %get3A_21] : memref<6400x128xbf16, #tpu.memory_space<vmem>>, vector<6400x128xbf16>
    %get3A_23 = arith.constant 0 : index
    %get3A_24 = arith.constant 0 : index
    %get3A_25 = vector.load %arg18[%get3A_23, %get3A_24] : memref<6400x256xbf16, #tpu.memory_space<vmem>>, vector<6400x256xbf16>
    %get3A_26 = arith.constant 0 : index
    %get3A_27 = arith.constant 0 : index
    %get3A_28 = vector.load %arg2[%get3A_26, %get3A_27] : memref<6400x16xbf16, #tpu.memory_space<vmem>>, vector<6400x16xbf16>
    %concatenate3A_29 = tpu.concatenate %get3A_22, %get3A_25, %get3A_28 in 1 : vector<6400x128xbf16>, vector<6400x256xbf16>, vector<6400x16xbf16> -> vector<6400x400xbf16>
    %dot_general3A_30 = arith.constant dense<0.000000e+00> : vector<6400x768xf32>
    %dot_general3A_31 = tpu.matmul %concatenate3A_29, %concatenate3A, %dot_general3A_30 {dimension_numbers = #tpu.dot_dimension_numbers<[1], [0], [0], [1], [0, 0, 1, 1], [], []>, transpose_lhs_hint = false} : vector<6400x400xbf16>, vector<400x768xbf16>, vector<6400x768xf32> -> vector<6400x768xf32>
    %eq3A_32 = arith.constant 0 : i32
    %eq3A_33 = arith.cmpi eq, %arg0, %eq3A_32 : i32
    %convert_element_type3A_34 = arith.extui %eq3A_33 : i1 to i32
    %cond3A_35 = arith.constant 0 : i32
    %cond3A_36 = arith.cmpi ne, %convert_element_type3A_34, %cond3A_35 : i32
    scf.if %cond3A_36 {
      %broadcast_in_dim3A_217 = arith.constant 0.000000e+00 : f32
      %broadcast_in_dim3A_218 = vector.broadcast %broadcast_in_dim3A_217 : f32 to vector<1x384xf32>
      %swap3A_219 = arith.constant 0 : index
      %swap3A_220 = arith.constant 0 : index
      %swap3A_221 = vector.load %arg21[%swap3A_219, %swap3A_220] : memref<1x384xf32, #tpu.memory_space<vmem>>, vector<1x384xf32>
      tpu.vector_store %arg21[%swap3A_219, %swap3A_220], %broadcast_in_dim3A_218 {strides = array<i32>} : memref<1x384xf32, #tpu.memory_space<vmem>>, vector<1x384xf32>,
      %broadcast_in_dim3A_222 = arith.constant 0.000000e+00 : f32
      %broadcast_in_dim3A_223 = vector.broadcast %broadcast_in_dim3A_222 : f32 to vector<1x384xf32>
      %swap3A_224 = arith.constant 0 : index
      %swap3A_225 = arith.constant 0 : index
      %swap3A_226 = vector.load %arg22[%swap3A_224, %swap3A_225] : memref<1x384xf32, #tpu.memory_space<vmem>>, vector<1x384xf32>
      tpu.vector_store %arg22[%swap3A_224, %swap3A_225], %broadcast_in_dim3A_223 {strides = array<i32>} : memref<1x384xf32, #tpu.memory_space<vmem>>, vector<1x384xf32>,
    } else {
    }
    %slice3A = vector.extract_strided_slice %dot_general3A_31 {offsets = [0, 0], sizes = [6400, 128], strides = [1, 1]} : vector<6400x768xf32> to vector<6400x128xf32>
    %slice3A_37 = vector.extract_strided_slice %dot_general3A_31 {offsets = [0, 128], sizes = [6400, 128], strides = [1, 1]} : vector<6400x768xf32> to vector<6400x128xf32>
    %mul3A = arith.constant -1.44269502 : f32
    %mul3A_38 = vector.broadcast %mul3A : f32 to vector<6400x128xf32>
    %mul3A_39 = arith.mulf %slice3A, %mul3A_38 : vector<6400x128xf32>
    %exp23A = math.exp2 %mul3A_39 : vector<6400x128xf32>
    %add3A_40 = arith.constant 1.000000e+00 : f32
    %add3A_41 = vector.broadcast %add3A_40 : f32 to vector<6400x128xf32>
    %add3A_42 = arith.addf %add3A_41, %exp23A : vector<6400x128xf32>
    %div3A = arith.constant 1.000000e+00 : f32
    %div3A_43 = vector.broadcast %div3A : f32 to vector<6400x128xf32>
    %div3A_44 = arith.divf %div3A_43, %add3A_42 : vector<6400x128xf32>
    %abs3A = math.absf %slice3A_37 : vector<6400x128xf32>
    %mul3A_45 = arith.constant -1.44269502 : f32
    %mul3A_46 = vector.broadcast %mul3A_45 : f32 to vector<6400x128xf32>
    %mul3A_47 = arith.mulf %abs3A, %mul3A_46 : vector<6400x128xf32>
    %exp23A_48 = math.exp2 %mul3A_47 : vector<6400x128xf32>
    %max3A = arith.constant 0.000000e+00 : f32
    %max3A_49 = vector.broadcast %max3A : f32 to vector<6400x128xf32>
    %max3A_50 = arith.maximumf %slice3A_37, %max3A_49 : vector<6400x128xf32>
    %add3A_51 = arith.constant 1.000000e+00 : f32
    %add3A_52 = vector.broadcast %add3A_51 : f32 to vector<6400x128xf32>
    %add3A_53 = arith.addf %add3A_52, %exp23A_48 : vector<6400x128xf32>
    %log3A = math.log %add3A_53 : vector<6400x128xf32>
    %log3A_54 = arith.constant 2.000000e+00 : f32
    %log3A_55 = math.log %log3A_54 : f32
    %div3A_56 = vector.broadcast %log3A_55 : f32 to vector<6400x128xf32>
    %div3A_57 = arith.divf %log3A, %div3A_56 : vector<6400x128xf32>
    %mul3A_58 = arith.constant 0.693147182 : f32
    %mul3A_59 = vector.broadcast %mul3A_58 : f32 to vector<6400x128xf32>
    %mul3A_60 = arith.mulf %mul3A_59, %div3A_57 : vector<6400x128xf32>
    %add3A_61 = arith.addf %max3A_50, %mul3A_60 : vector<6400x128xf32>
    %mul3A_62 = arith.mulf %div3A_44, %add3A_61 : vector<6400x128xf32>
    %convert_element_type3A_63 = arith.truncf %mul3A_62 : vector<6400x128xf32> to vector<6400x128xbf16>
    %get3A_64 = arith.constant 0 : index
    %get3A_65 = arith.constant 0 : index
    %get3A_66 = vector.load %arg19[%get3A_64, %get3A_65] : memref<200x6400xbf16, #tpu.memory_space<vmem>>, vector<200x6400xbf16>
    %dot_general3A_67 = arith.constant dense<0.000000e+00> : vector<200x128xf32>
    %dot_general3A_68 = tpu.matmul %get3A_66, %convert_element_type3A_63, %dot_general3A_67 {dimension_numbers = #tpu.dot_dimension_numbers<[1], [0], [0], [1], [0, 0, 1, 1], [], []>, transpose_lhs_hint = false} : vector<200x6400xbf16>, vector<6400x128xbf16>, vector<200x128xf32> -> vector<200x128xf32>
    %swap3A = arith.constant 0 : index
    %swap3A_69 = arith.constant 0 : index
    %swap3A_70 = vector.load %arg20[%swap3A, %swap3A_69] : memref<200x384xf32, #tpu.memory_space<vmem>>, vector<200x128xf32>
    tpu.vector_store %arg20[%swap3A, %swap3A_69], %dot_general3A_68 {strides = array<i32>} : memref<200x384xf32, #tpu.memory_space<vmem>>, vector<200x128xf32>,
    %get3A_71 = arith.constant 0 : index
    %get3A_72 = arith.constant 0 : index
    %get3A_73 = vector.load %arg21[%get3A_71, %get3A_72] : memref<1x384xf32, #tpu.memory_space<vmem>>, vector<1x128xf32>
    %reduce_sum3A = arith.constant dense<0.000000e+00> : vector<128xf32>
    %reduce_sum3A_74 = vector.multi_reduction <add>, %dot_general3A_68, %reduce_sum3A [0] : vector<200x128xf32> to vector<128xf32>
    %broadcast_in_dim3A_75 = vector.shape_cast %reduce_sum3A_74 : vector<128xf32> to vector<1x128xf32>
    %add3A_76 = arith.addf %get3A_73, %broadcast_in_dim3A_75 : vector<1x128xf32>
    %swap3A_77 = arith.constant 0 : index
    %swap3A_78 = arith.constant 0 : index
    %swap3A_79 = vector.load %arg21[%swap3A_77, %swap3A_78] : memref<1x384xf32, #tpu.memory_space<vmem>>, vector<1x128xf32>
    tpu.vector_store %arg21[%swap3A_77, %swap3A_78], %add3A_76 {strides = array<i32>} : memref<1x384xf32, #tpu.memory_space<vmem>>, vector<1x128xf32>,
    %get3A_80 = arith.constant 0 : index
    %get3A_81 = arith.constant 0 : index
    %get3A_82 = vector.load %arg22[%get3A_80, %get3A_81] : memref<1x384xf32, #tpu.memory_space<vmem>>, vector<1x128xf32>
    %mul3A_83 = arith.mulf %dot_general3A_68, %dot_general3A_68 : vector<200x128xf32>
    %reduce_sum3A_84 = arith.constant dense<0.000000e+00> : vector<128xf32>
    %reduce_sum3A_85 = vector.multi_reduction <add>, %mul3A_83, %reduce_sum3A_84 [0] : vector<200x128xf32> to vector<128xf32>
    %broadcast_in_dim3A_86 = vector.shape_cast %reduce_sum3A_85 : vector<128xf32> to vector<1x128xf32>
    %add3A_87 = arith.addf %get3A_82, %broadcast_in_dim3A_86 : vector<1x128xf32>
    %swap3A_88 = arith.constant 0 : index
    %swap3A_89 = arith.constant 0 : index
    %swap3A_90 = vector.load %arg22[%swap3A_88, %swap3A_89] : memref<1x384xf32, #tpu.memory_space<vmem>>, vector<1x128xf32>
    tpu.vector_store %arg22[%swap3A_88, %swap3A_89], %add3A_87 {strides = array<i32>} : memref<1x384xf32, #tpu.memory_space<vmem>>, vector<1x128xf32>,
    %slice3A_91 = vector.extract_strided_slice %dot_general3A_31 {offsets = [0, 256], sizes = [6400, 128], strides = [1, 1]} : vector<6400x768xf32> to vector<6400x128xf32>
    %slice3A_92 = vector.extract_strided_slice %dot_general3A_31 {offsets = [0, 384], sizes = [6400, 128], strides = [1, 1]} : vector<6400x768xf32> to vector<6400x128xf32>
    %mul3A_93 = arith.constant -1.44269502 : f32
    %mul3A_94 = vector.broadcast %mul3A_93 : f32 to vector<6400x128xf32>
    %mul3A_95 = arith.mulf %slice3A_91, %mul3A_94 : vector<6400x128xf32>
    %exp23A_96 = math.exp2 %mul3A_95 : vector<6400x128xf32>
    %add3A_97 = arith.constant 1.000000e+00 : f32
    %add3A_98 = vector.broadcast %add3A_97 : f32 to vector<6400x128xf32>
    %add3A_99 = arith.addf %add3A_98, %exp23A_96 : vector<6400x128xf32>
    %div3A_100 = arith.constant 1.000000e+00 : f32
    %div3A_101 = vector.broadcast %div3A_100 : f32 to vector<6400x128xf32>
    %div3A_102 = arith.divf %div3A_101, %add3A_99 : vector<6400x128xf32>
    %abs3A_103 = math.absf %slice3A_92 : vector<6400x128xf32>
    %mul3A_104 = arith.constant -1.44269502 : f32
    %mul3A_105 = vector.broadcast %mul3A_104 : f32 to vector<6400x128xf32>
    %mul3A_106 = arith.mulf %abs3A_103, %mul3A_105 : vector<6400x128xf32>
    %exp23A_107 = math.exp2 %mul3A_106 : vector<6400x128xf32>
    %max3A_108 = arith.constant 0.000000e+00 : f32
    %max3A_109 = vector.broadcast %max3A_108 : f32 to vector<6400x128xf32>
    %max3A_110 = arith.maximumf %slice3A_92, %max3A_109 : vector<6400x128xf32>
    %add3A_111 = arith.constant 1.000000e+00 : f32
    %add3A_112 = vector.broadcast %add3A_111 : f32 to vector<6400x128xf32>
    %add3A_113 = arith.addf %add3A_112, %exp23A_107 : vector<6400x128xf32>
    %log3A_114 = math.log %add3A_113 : vector<6400x128xf32>
    %log3A_115 = arith.constant 2.000000e+00 : f32
    %log3A_116 = math.log %log3A_115 : f32
    %div3A_117 = vector.broadcast %log3A_116 : f32 to vector<6400x128xf32>
    %div3A_118 = arith.divf %log3A_114, %div3A_117 : vector<6400x128xf32>
    %mul3A_119 = arith.constant 0.693147182 : f32
    %mul3A_120 = vector.broadcast %mul3A_119 : f32 to vector<6400x128xf32>
    %mul3A_121 = arith.mulf %mul3A_120, %div3A_118 : vector<6400x128xf32>
    %add3A_122 = arith.addf %max3A_110, %mul3A_121 : vector<6400x128xf32>
    %mul3A_123 = arith.mulf %div3A_102, %add3A_122 : vector<6400x128xf32>
    %convert_element_type3A_124 = arith.truncf %mul3A_123 : vector<6400x128xf32> to vector<6400x128xbf16>
    %get3A_125 = arith.constant 0 : index
    %get3A_126 = arith.constant 0 : index
    %get3A_127 = vector.load %arg19[%get3A_125, %get3A_126] : memref<200x6400xbf16, #tpu.memory_space<vmem>>, vector<200x6400xbf16>
    %dot_general3A_128 = arith.constant dense<0.000000e+00> : vector<200x128xf32>
    %dot_general3A_129 = tpu.matmul %get3A_127, %convert_element_type3A_124, %dot_general3A_128 {dimension_numbers = #tpu.dot_dimension_numbers<[1], [0], [0], [1], [0, 0, 1, 1], [], []>, transpose_lhs_hint = false} : vector<200x6400xbf16>, vector<6400x128xbf16>, vector<200x128xf32> -> vector<200x128xf32>
    %swap3A_130 = arith.constant 0 : index
    %swap3A_131 = arith.constant 128 : index
    %swap3A_132 = vector.load %arg20[%swap3A_130, %swap3A_131] : memref<200x384xf32, #tpu.memory_space<vmem>>, vector<200x128xf32>
    tpu.vector_store %arg20[%swap3A_130, %swap3A_131], %dot_general3A_129 {strides = array<i32>} : memref<200x384xf32, #tpu.memory_space<vmem>>, vector<200x128xf32>,
    %get3A_133 = arith.constant 0 : index
    %get3A_134 = arith.constant 128 : index
    %get3A_135 = vector.load %arg21[%get3A_133, %get3A_134] : memref<1x384xf32, #tpu.memory_space<vmem>>, vector<1x128xf32>
    %reduce_sum3A_136 = arith.constant dense<0.000000e+00> : vector<128xf32>
    %reduce_sum3A_137 = vector.multi_reduction <add>, %dot_general3A_129, %reduce_sum3A_136 [0] : vector<200x128xf32> to vector<128xf32>
    %broadcast_in_dim3A_138 = vector.shape_cast %reduce_sum3A_137 : vector<128xf32> to vector<1x128xf32>
    %add3A_139 = arith.addf %get3A_135, %broadcast_in_dim3A_138 : vector<1x128xf32>
    %swap3A_140 = arith.constant 0 : index
    %swap3A_141 = arith.constant 128 : index
    %swap3A_142 = vector.load %arg21[%swap3A_140, %swap3A_141] : memref<1x384xf32, #tpu.memory_space<vmem>>, vector<1x128xf32>
    tpu.vector_store %arg21[%swap3A_140, %swap3A_141], %add3A_139 {strides = array<i32>} : memref<1x384xf32, #tpu.memory_space<vmem>>, vector<1x128xf32>,
    %get3A_143 = arith.constant 0 : index
    %get3A_144 = arith.constant 128 : index
    %get3A_145 = vector.load %arg22[%get3A_143, %get3A_144] : memref<1x384xf32, #tpu.memory_space<vmem>>, vector<1x128xf32>
    %mul3A_146 = arith.mulf %dot_general3A_129, %dot_general3A_129 : vector<200x128xf32>
    %reduce_sum3A_147 = arith.constant dense<0.000000e+00> : vector<128xf32>
    %reduce_sum3A_148 = vector.multi_reduction <add>, %mul3A_146, %reduce_sum3A_147 [0] : vector<200x128xf32> to vector<128xf32>
    %broadcast_in_dim3A_149 = vector.shape_cast %reduce_sum3A_148 : vector<128xf32> to vector<1x128xf32>
    %add3A_150 = arith.addf %get3A_145, %broadcast_in_dim3A_149 : vector<1x128xf32>
    %swap3A_151 = arith.constant 0 : index
    %swap3A_152 = arith.constant 128 : index
    %swap3A_153 = vector.load %arg22[%swap3A_151, %swap3A_152] : memref<1x384xf32, #tpu.memory_space<vmem>>, vector<1x128xf32>
    tpu.vector_store %arg22[%swap3A_151, %swap3A_152], %add3A_150 {strides = array<i32>} : memref<1x384xf32, #tpu.memory_space<vmem>>, vector<1x128xf32>,
    %slice3A_154 = vector.extract_strided_slice %dot_general3A_31 {offsets = [0, 512], sizes = [6400, 128], strides = [1, 1]} : vector<6400x768xf32> to vector<6400x128xf32>
    %slice3A_155 = vector.extract_strided_slice %dot_general3A_31 {offsets = [0, 640], sizes = [6400, 128], strides = [1, 1]} : vector<6400x768xf32> to vector<6400x128xf32>
    %mul3A_156 = arith.constant -1.44269502 : f32
    %mul3A_157 = vector.broadcast %mul3A_156 : f32 to vector<6400x128xf32>
    %mul3A_158 = arith.mulf %slice3A_154, %mul3A_157 : vector<6400x128xf32>
    %exp23A_159 = math.exp2 %mul3A_158 : vector<6400x128xf32>
    %add3A_160 = arith.constant 1.000000e+00 : f32
    %add3A_161 = vector.broadcast %add3A_160 : f32 to vector<6400x128xf32>
    %add3A_162 = arith.addf %add3A_161, %exp23A_159 : vector<6400x128xf32>
    %div3A_163 = arith.constant 1.000000e+00 : f32
    %div3A_164 = vector.broadcast %div3A_163 : f32 to vector<6400x128xf32>
    %div3A_165 = arith.divf %div3A_164, %add3A_162 : vector<6400x128xf32>
    %abs3A_166 = math.absf %slice3A_155 : vector<6400x128xf32>
    %mul3A_167 = arith.constant -1.44269502 : f32
    %mul3A_168 = vector.broadcast %mul3A_167 : f32 to vector<6400x128xf32>
    %mul3A_169 = arith.mulf %abs3A_166, %mul3A_168 : vector<6400x128xf32>
    %exp23A_170 = math.exp2 %mul3A_169 : vector<6400x128xf32>
    %max3A_171 = arith.constant 0.000000e+00 : f32
    %max3A_172 = vector.broadcast %max3A_171 : f32 to vector<6400x128xf32>
    %max3A_173 = arith.maximumf %slice3A_155, %max3A_172 : vector<6400x128xf32>
    %add3A_174 = arith.constant 1.000000e+00 : f32
    %add3A_175 = vector.broadcast %add3A_174 : f32 to vector<6400x128xf32>
    %add3A_176 = arith.addf %add3A_175, %exp23A_170 : vector<6400x128xf32>
    %log3A_177 = math.log %add3A_176 : vector<6400x128xf32>
    %log3A_178 = arith.constant 2.000000e+00 : f32
    %log3A_179 = math.log %log3A_178 : f32
    %div3A_180 = vector.broadcast %log3A_179 : f32 to vector<6400x128xf32>
    %div3A_181 = arith.divf %log3A_177, %div3A_180 : vector<6400x128xf32>
    %mul3A_182 = arith.constant 0.693147182 : f32
    %mul3A_183 = vector.broadcast %mul3A_182 : f32 to vector<6400x128xf32>
    %mul3A_184 = arith.mulf %mul3A_183, %div3A_181 : vector<6400x128xf32>
    %add3A_185 = arith.addf %max3A_173, %mul3A_184 : vector<6400x128xf32>
    %mul3A_186 = arith.mulf %div3A_165, %add3A_185 : vector<6400x128xf32>
    %convert_element_type3A_187 = arith.truncf %mul3A_186 : vector<6400x128xf32> to vector<6400x128xbf16>
    %get3A_188 = arith.constant 0 : index
    %get3A_189 = arith.constant 0 : index
    %get3A_190 = vector.load %arg19[%get3A_188, %get3A_189] : memref<200x6400xbf16, #tpu.memory_space<vmem>>, vector<200x6400xbf16>
    %dot_general3A_191 = arith.constant dense<0.000000e+00> : vector<200x128xf32>
    %dot_general3A_192 = tpu.matmul %get3A_190, %convert_element_type3A_187, %dot_general3A_191 {dimension_numbers = #tpu.dot_dimension_numbers<[1], [0], [0], [1], [0, 0, 1, 1], [], []>, transpose_lhs_hint = false} : vector<200x6400xbf16>, vector<6400x128xbf16>, vector<200x128xf32> -> vector<200x128xf32>
    %swap3A_193 = arith.constant 0 : index
    %swap3A_194 = arith.constant 256 : index
    %swap3A_195 = vector.load %arg20[%swap3A_193, %swap3A_194] : memref<200x384xf32, #tpu.memory_space<vmem>>, vector<200x128xf32>
    tpu.vector_store %arg20[%swap3A_193, %swap3A_194], %dot_general3A_192 {strides = array<i32>} : memref<200x384xf32, #tpu.memory_space<vmem>>, vector<200x128xf32>,
    %get3A_196 = arith.constant 0 : index
    %get3A_197 = arith.constant 256 : index
    %get3A_198 = vector.load %arg21[%get3A_196, %get3A_197] : memref<1x384xf32, #tpu.memory_space<vmem>>, vector<1x128xf32>
    %reduce_sum3A_199 = arith.constant dense<0.000000e+00> : vector<128xf32>
    %reduce_sum3A_200 = vector.multi_reduction <add>, %dot_general3A_192, %reduce_sum3A_199 [0] : vector<200x128xf32> to vector<128xf32>
    %broadcast_in_dim3A_201 = vector.shape_cast %reduce_sum3A_200 : vector<128xf32> to vector<1x128xf32>
    %add3A_202 = arith.addf %get3A_198, %broadcast_in_dim3A_201 : vector<1x128xf32>
    %swap3A_203 = arith.constant 0 : index
    %swap3A_204 = arith.constant 256 : index
    %swap3A_205 = vector.load %arg21[%swap3A_203, %swap3A_204] : memref<1x384xf32, #tpu.memory_space<vmem>>, vector<1x128xf32>
    tpu.vector_store %arg21[%swap3A_203, %swap3A_204], %add3A_202 {strides = array<i32>} : memref<1x384xf32, #tpu.memory_space<vmem>>, vector<1x128xf32>,
    %get3A_206 = arith.constant 0 : index
    %get3A_207 = arith.constant 256 : index
    %get3A_208 = vector.load %arg22[%get3A_206, %get3A_207] : memref<1x384xf32, #tpu.memory_space<vmem>>, vector<1x128xf32>
    %mul3A_209 = arith.mulf %dot_general3A_192, %dot_general3A_192 : vector<200x128xf32>
    %reduce_sum3A_210 = arith.constant dense<0.000000e+00> : vector<128xf32>
    %reduce_sum3A_211 = vector.multi_reduction <add>, %mul3A_209, %reduce_sum3A_210 [0] : vector<200x128xf32> to vector<128xf32>
    %broadcast_in_dim3A_212 = vector.shape_cast %reduce_sum3A_211 : vector<128xf32> to vector<1x128xf32>
    %add3A_213 = arith.addf %get3A_208, %broadcast_in_dim3A_212 : vector<1x128xf32>
    %swap3A_214 = arith.constant 0 : index
    %swap3A_215 = arith.constant 256 : index
    %swap3A_216 = vector.load %arg22[%swap3A_214, %swap3A_215] : memref<1x384xf32, #tpu.memory_space<vmem>>, vector<1x128xf32>
    tpu.vector_store %arg22[%swap3A_214, %swap3A_215], %add3A_213 {strides = array<i32>} : memref<1x384xf32, #tpu.memory_space<vmem>>, vector<1x128xf32>,
    return
  }
  func.func @transform_0(%arg0: i32) -> (i32, i32) {
    %c0_i32 = arith.constant 0 : i32
    %c0_i32_0 = arith.constant 0 : i32
    return %arg0, %c0_i32 : i32, i32
  }
  func.func @transform_1(%arg0: i32) -> (i32, i32) {
    %c0_i32 = arith.constant 0 : i32
    %c0_i32_0 = arith.constant 0 : i32
    return %arg0, %c0_i32 : i32, i32
  }
  func.func @transform_2(%arg0: i32) -> (i32, i32) {
    %c0_i32 = arith.constant 0 : i32
    %c0_i32_0 = arith.constant 0 : i32
    return %arg0, %c0_i32 : i32, i32
  }
  func.func @transform_3(%arg0: i32) -> (i32, i32) {
    %c0_i32 = arith.constant 0 : i32
    %c0_i32_0 = arith.constant 0 : i32
    %c0_i32_1 = arith.constant 0 : i32
    return %c0_i32, %c0_i32_0 : i32, i32
  }
  func.func @transform_4(%arg0: i32) -> (i32, i32) {
    %c0_i32 = arith.constant 0 : i32
    %c0_i32_0 = arith.constant 0 : i32
    %c0_i32_1 = arith.constant 0 : i32
    return %c0_i32, %c0_i32_0 : i32, i32
  }
  func.func @transform_5(%arg0: i32) -> (i32, i32) {
    %c0_i32 = arith.constant 0 : i32
    %c0_i32_0 = arith.constant 0 : i32
    %c0_i32_1 = arith.constant 0 : i32
    return %c0_i32, %c0_i32_0 : i32, i32
  }
  func.func @transform_6(%arg0: i32) -> (i32, i32) {
    %c0_i32 = arith.constant 0 : i32
    %c0_i32_0 = arith.constant 0 : i32
    %c0_i32_1 = arith.constant 0 : i32
    return %c0_i32, %c0_i32_0 : i32, i32
  }
  func.func @transform_7(%arg0: i32) -> (i32, i32) {
    %c0_i32 = arith.constant 0 : i32
    %c0_i32_0 = arith.constant 0 : i32
    %c0_i32_1 = arith.constant 0 : i32
    return %c0_i32, %c0_i32_0 : i32, i32
  }
  func.func @transform_8(%arg0: i32) -> (i32, i32) {
    %c0_i32 = arith.constant 0 : i32
    %c0_i32_0 = arith.constant 0 : i32
    %c0_i32_1 = arith.constant 0 : i32
    return %c0_i32, %c0_i32_0 : i32, i32
  }
  func.func @transform_9(%arg0: i32) -> (i32, i32) {
    %c0_i32 = arith.constant 0 : i32
    %c0_i32_0 = arith.constant 0 : i32
    %c0_i32_1 = arith.constant 0 : i32
    return %c0_i32, %c0_i32_0 : i32, i32
  }
  func.func @transform_10(%arg0: i32) -> (i32, i32) {
    %c0_i32 = arith.constant 0 : i32
    %c0_i32_0 = arith.constant 0 : i32
    %c0_i32_1 = arith.constant 0 : i32
    return %c0_i32, %c0_i32_0 : i32, i32
  }
  func.func @transform_11(%arg0: i32) -> (i32, i32) {
    %c0_i32 = arith.constant 0 : i32
    %c0_i32_0 = arith.constant 0 : i32
    %c0_i32_1 = arith.constant 0 : i32
    return %c0_i32, %c0_i32_0 : i32, i32
  }
  func.func @transform_12(%arg0: i32) -> (i32, i32) {
    %c0_i32 = arith.constant 0 : i32
    %c0_i32_0 = arith.constant 0 : i32
    %c0_i32_1 = arith.constant 0 : i32
    return %c0_i32, %c0_i32_0 : i32, i32
  }
  func.func @transform_13(%arg0: i32) -> (i32, i32) {
    %c0_i32 = arith.constant 0 : i32
    %c0_i32_0 = arith.constant 0 : i32
    %c0_i32_1 = arith.constant 0 : i32
    return %c0_i32, %c0_i32_0 : i32, i32
  }
  func.func @transform_14(%arg0: i32) -> (i32, i32) {
    %c0_i32 = arith.constant 0 : i32
    %c0_i32_0 = arith.constant 0 : i32
    %c0_i32_1 = arith.constant 0 : i32
    return %c0_i32, %c0_i32_0 : i32, i32
  }
  func.func @transform_15(%arg0: i32) -> (i32, i32) {
    %c0_i32 = arith.constant 0 : i32
    %c0_i32_0 = arith.constant 0 : i32
    %c0_i32_1 = arith.constant 0 : i32
    return %c0_i32, %c0_i32_0 : i32, i32
  }
  func.func @transform_16(%arg0: i32) -> (i32, i32) {
    %c0_i32 = arith.constant 0 : i32
    %c0_i32_0 = arith.constant 0 : i32
    %c0_i32_1 = arith.constant 0 : i32
    return %c0_i32, %c0_i32_0 : i32, i32
  }
  func.func @transform_17(%arg0: i32) -> (i32, i32) {
    %c0_i32 = arith.constant 0 : i32
    %c0_i32_0 = arith.constant 0 : i32
    %c0_i32_1 = arith.constant 0 : i32
    return %c0_i32, %c0_i32_0 : i32, i32
  }
  func.func @transform_18(%arg0: i32) -> (i32, i32) {
    %c0_i32 = arith.constant 0 : i32
    %c0_i32_0 = arith.constant 0 : i32
    %c0_i32_1 = arith.constant 0 : i32
    return %c0_i32, %c0_i32_0 : i32, i32
  }
  func.func @transform_19(%arg0: i32) -> (i32, i32) {
    %c0_i32 = arith.constant 0 : i32
    %c0_i32_0 = arith.constant 0 : i32
    return %arg0, %c0_i32 : i32, i32
  }
  func.func @transform_20(%arg0: i32) -> (i32, i32) {
    %c0_i32 = arith.constant 0 : i32
    %c0_i32_0 = arith.constant 0 : i32
    %c0_i32_1 = arith.constant 0 : i32
    return %c0_i32, %c0_i32_0 : i32, i32
  }
  func.func @transform_21(%arg0: i32) -> (i32, i32) {
    %c0_i32 = arith.constant 0 : i32
    %c0_i32_0 = arith.constant 0 : i32
    %c0_i32_1 = arith.constant 0 : i32
    return %c0_i32, %c0_i32_0 : i32, i32
  }
}

module attributes {stable_mosaic.version = 14 : i64} {
  func.func @_p3_body(%arg0: i32, %arg1: memref<2000x384xf32, #tpu.memory_space<vmem>>, %arg2: memref<2000x128xf32, #tpu.memory_space<vmem>>, %arg3: memref<1x384xf32, #tpu.memory_space<vmem>>, %arg4: memref<1x384xf32, #tpu.memory_space<vmem>>, %arg5: memref<1x384xf32, #tpu.memory_space<vmem>>, %arg6: memref<1x384xf32, #tpu.memory_space<vmem>>, %arg7: memref<384x128xf32, #tpu.memory_space<vmem>>, %arg8: memref<1x128xf32, #tpu.memory_space<vmem>>, %arg9: memref<2000x128xf32, #tpu.memory_space<vmem>>) attributes {dimension_semantics = [#tpu.dimension_semantics<arbitrary>], iteration_bounds = array<i64: 5>, scalar_prefetch = 0 : i64, scratch_operands = 0 : i64, tpu.core_type = #tpu.core_type<tc>, window_params = [{transform_indices = @transform_0, window_bounds = array<i64: 2000, 384>}, {transform_indices = @transform_1, window_bounds = array<i64: 2000, 128>}, {pipeline_mode = #tpu.pipeline_mode<synchronous>, transform_indices = @transform_2, window_bounds = array<i64: 1, 384>}, {pipeline_mode = #tpu.pipeline_mode<synchronous>, transform_indices = @transform_3, window_bounds = array<i64: 1, 384>}, {pipeline_mode = #tpu.pipeline_mode<synchronous>, transform_indices = @transform_4, window_bounds = array<i64: 1, 384>}, {pipeline_mode = #tpu.pipeline_mode<synchronous>, transform_indices = @transform_5, window_bounds = array<i64: 1, 384>}, {pipeline_mode = #tpu.pipeline_mode<synchronous>, transform_indices = @transform_6, window_bounds = array<i64: 384, 128>}, {pipeline_mode = #tpu.pipeline_mode<synchronous>, transform_indices = @transform_7, window_bounds = array<i64: 1, 128>}, {transform_indices = @transform_8, window_bounds = array<i64: 2000, 128>}]} {
    %get3A = arith.constant 0 : index
    %get3A_0 = arith.constant 0 : index
    %get3A_1 = vector.load %arg3[%get3A, %get3A_0] : memref<1x384xf32, #tpu.memory_space<vmem>>, vector<1x384xf32>
    %div3A = arith.constant 1.000000e+04 : f32
    %div3A_2 = vector.broadcast %div3A : f32 to vector<1x384xf32>
    %div3A_3 = arith.divf %get3A_1, %div3A_2 : vector<1x384xf32>
    %get3A_4 = arith.constant 0 : index
    %get3A_5 = arith.constant 0 : index
    %get3A_6 = vector.load %arg4[%get3A_4, %get3A_5] : memref<1x384xf32, #tpu.memory_space<vmem>>, vector<1x384xf32>
    %div3A_7 = arith.constant 1.000000e+04 : f32
    %div3A_8 = vector.broadcast %div3A_7 : f32 to vector<1x384xf32>
    %div3A_9 = arith.divf %get3A_6, %div3A_8 : vector<1x384xf32>
    %mul3A = arith.mulf %div3A_3, %div3A_3 : vector<1x384xf32>
    %sub3A = arith.subf %div3A_9, %mul3A : vector<1x384xf32>
    %get3A_10 = arith.constant 0 : index
    %get3A_11 = arith.constant 0 : index
    %get3A_12 = vector.load %arg5[%get3A_10, %get3A_11] : memref<1x384xf32, #tpu.memory_space<vmem>>, vector<1x384xf32>
    %add3A = arith.constant 9.99999974E-6 : f32
    %add3A_13 = vector.broadcast %add3A : f32 to vector<1x384xf32>
    %add3A_14 = arith.addf %sub3A, %add3A_13 : vector<1x384xf32>
    %rsqrt3A = math.rsqrt %add3A_14 : vector<1x384xf32>
    %mul3A_15 = arith.mulf %get3A_12, %rsqrt3A : vector<1x384xf32>
    %get3A_16 = arith.constant 0 : index
    %get3A_17 = arith.constant 0 : index
    %get3A_18 = vector.load %arg6[%get3A_16, %get3A_17] : memref<1x384xf32, #tpu.memory_space<vmem>>, vector<1x384xf32>
    %mul3A_19 = arith.mulf %div3A_3, %mul3A_15 : vector<1x384xf32>
    %sub3A_20 = arith.subf %get3A_18, %mul3A_19 : vector<1x384xf32>
    %get3A_21 = arith.constant 0 : index
    %get3A_22 = arith.constant 0 : index
    %get3A_23 = vector.load %arg1[%get3A_21, %get3A_22] : memref<2000x384xf32, #tpu.memory_space<vmem>>, vector<2000x384xf32>
    %mul3A_24 = vector.broadcast %mul3A_15 : vector<1x384xf32> to vector<2000x384xf32>
    %mul3A_25 = arith.mulf %get3A_23, %mul3A_24 : vector<2000x384xf32>
    %add3A_26 = vector.broadcast %sub3A_20 : vector<1x384xf32> to vector<2000x384xf32>
    %add3A_27 = arith.addf %mul3A_25, %add3A_26 : vector<2000x384xf32>
    %get3A_28 = arith.constant 0 : index
    %get3A_29 = arith.constant 0 : index
    %get3A_30 = vector.load %arg2[%get3A_28, %get3A_29] : memref<2000x128xf32, #tpu.memory_space<vmem>>, vector<2000x128xf32>
    %concatenate3A = tpu.concatenate %get3A_30, %get3A_30, %get3A_30 in 1 : vector<2000x128xf32>, vector<2000x128xf32>, vector<2000x128xf32> -> vector<2000x384xf32>
    %add3A_31 = arith.addf %concatenate3A, %add3A_27 : vector<2000x384xf32>
    %abs3A = math.absf %add3A_31 : vector<2000x384xf32>
    %mul3A_32 = arith.constant -1.44269502 : f32
    %mul3A_33 = vector.broadcast %mul3A_32 : f32 to vector<2000x384xf32>
    %mul3A_34 = arith.mulf %abs3A, %mul3A_33 : vector<2000x384xf32>
    %exp23A = math.exp2 %mul3A_34 : vector<2000x384xf32>
    %max3A = arith.constant 0.000000e+00 : f32
    %max3A_35 = vector.broadcast %max3A : f32 to vector<2000x384xf32>
    %max3A_36 = arith.maximumf %add3A_31, %max3A_35 : vector<2000x384xf32>
    %add3A_37 = arith.constant 1.000000e+00 : f32
    %add3A_38 = vector.broadcast %add3A_37 : f32 to vector<2000x384xf32>
    %add3A_39 = arith.addf %add3A_38, %exp23A : vector<2000x384xf32>
    %log3A = math.log %add3A_39 : vector<2000x384xf32>
    %log3A_40 = arith.constant 2.000000e+00 : f32
    %log3A_41 = math.log %log3A_40 : f32
    %div3A_42 = vector.broadcast %log3A_41 : f32 to vector<2000x384xf32>
    %div3A_43 = arith.divf %log3A, %div3A_42 : vector<2000x384xf32>
    %mul3A_44 = arith.constant 0.693147182 : f32
    %mul3A_45 = vector.broadcast %mul3A_44 : f32 to vector<2000x384xf32>
    %mul3A_46 = arith.mulf %mul3A_45, %div3A_43 : vector<2000x384xf32>
    %add3A_47 = arith.addf %max3A_36, %mul3A_46 : vector<2000x384xf32>
    %get3A_48 = arith.constant 0 : index
    %get3A_49 = arith.constant 0 : index
    %get3A_50 = vector.load %arg7[%get3A_48, %get3A_49] : memref<384x128xf32, #tpu.memory_space<vmem>>, vector<384x128xf32>
    %dot_general3A = arith.constant dense<0.000000e+00> : vector<2000x128xf32>
    %dot_general3A_51 = tpu.matmul %add3A_47, %get3A_50, %dot_general3A {dimension_numbers = #tpu.dot_dimension_numbers<[1], [0], [0], [1], [0, 0, 1, 1], [], []>, transpose_lhs_hint = false} : vector<2000x384xf32>, vector<384x128xf32>, vector<2000x128xf32> -> vector<2000x128xf32>
    %get3A_52 = arith.constant 0 : index
    %get3A_53 = arith.constant 0 : index
    %get3A_54 = vector.load %arg8[%get3A_52, %get3A_53] : memref<1x128xf32, #tpu.memory_space<vmem>>, vector<1x128xf32>
    %add3A_55 = vector.broadcast %get3A_54 : vector<1x128xf32> to vector<2000x128xf32>
    %add3A_56 = arith.addf %dot_general3A_51, %add3A_55 : vector<2000x128xf32>
    %max3A_57 = arith.constant 0.000000e+00 : f32
    %max3A_58 = vector.broadcast %max3A_57 : f32 to vector<2000x128xf32>
    %max3A_59 = arith.maximumf %add3A_56, %max3A_58 : vector<2000x128xf32>
    %swap3A = arith.constant 0 : index
    %swap3A_60 = arith.constant 0 : index
    %swap3A_61 = vector.load %arg9[%swap3A, %swap3A_60] : memref<2000x128xf32, #tpu.memory_space<vmem>>, vector<2000x128xf32>
    tpu.vector_store %arg9[%swap3A, %swap3A_60], %max3A_59 {strides = array<i32>} : memref<2000x128xf32, #tpu.memory_space<vmem>>, vector<2000x128xf32>,
    return
  }
  func.func @transform_0(%arg0: i32) -> (i32, i32) {
    %c0_i32 = arith.constant 0 : i32
    %c0_i32_0 = arith.constant 0 : i32
    return %arg0, %c0_i32 : i32, i32
  }
  func.func @transform_1(%arg0: i32) -> (i32, i32) {
    %c0_i32 = arith.constant 0 : i32
    %c0_i32_0 = arith.constant 0 : i32
    return %arg0, %c0_i32 : i32, i32
  }
  func.func @transform_2(%arg0: i32) -> (i32, i32) {
    %c0_i32 = arith.constant 0 : i32
    %c0_i32_0 = arith.constant 0 : i32
    %c0_i32_1 = arith.constant 0 : i32
    return %c0_i32, %c0_i32_0 : i32, i32
  }
  func.func @transform_3(%arg0: i32) -> (i32, i32) {
    %c0_i32 = arith.constant 0 : i32
    %c0_i32_0 = arith.constant 0 : i32
    %c0_i32_1 = arith.constant 0 : i32
    return %c0_i32, %c0_i32_0 : i32, i32
  }
  func.func @transform_4(%arg0: i32) -> (i32, i32) {
    %c0_i32 = arith.constant 0 : i32
    %c0_i32_0 = arith.constant 0 : i32
    %c0_i32_1 = arith.constant 0 : i32
    return %c0_i32, %c0_i32_0 : i32, i32
  }
  func.func @transform_5(%arg0: i32) -> (i32, i32) {
    %c0_i32 = arith.constant 0 : i32
    %c0_i32_0 = arith.constant 0 : i32
    %c0_i32_1 = arith.constant 0 : i32
    return %c0_i32, %c0_i32_0 : i32, i32
  }
  func.func @transform_6(%arg0: i32) -> (i32, i32) {
    %c0_i32 = arith.constant 0 : i32
    %c0_i32_0 = arith.constant 0 : i32
    %c0_i32_1 = arith.constant 0 : i32
    return %c0_i32, %c0_i32_0 : i32, i32
  }
  func.func @transform_7(%arg0: i32) -> (i32, i32) {
    %c0_i32 = arith.constant 0 : i32
    %c0_i32_0 = arith.constant 0 : i32
    %c0_i32_1 = arith.constant 0 : i32
    return %c0_i32, %c0_i32_0 : i32, i32
  }
  func.func @transform_8(%arg0: i32) -> (i32, i32) {
    %c0_i32 = arith.constant 0 : i32
    %c0_i32_0 = arith.constant 0 : i32
    return %arg0, %c0_i32 : i32, i32
  }
}

</mosaic_0001>

<sc_bundles>
// kernel: kernel.6.cloned.1.call-start
scs
__scs_entry_jumppad:
0x0: {  	(pc) =	sbr.rel $0x88, $3  }
0x1: {  	(tag) =	ssettag $0x0;
	lr =	simm.s32 $0x1  }
0x2: {  	[smem:$0x3F8B] =	sst lr;
	_ =	strace $0xD0000000  }
0x3: {  	_ = 	snop  }
0x4: {  	_ = 	snop  }
0x5: {  	_ = 	snop  }
0x6: {  	_ = 	snop  }
0x7: {  	_ = 	snop  }
__scs_overlays_trampoline_lowered:
0x8: {  	[smem:$0x3F9A] =	sst s0  }
0x9: {  	[smem:$0x3F9B] =	sst s1  }
0xa: {  	[smem:$0x3F9C] =	sst s2  }
0xb: {  	[smem:$0x3F9D] =	sst s3  }
0xc: {  	[smem:$0x3F9E] =	sst s4  }
0xd: {  	[smem:$0x3F9F] =	sst s5  }
0xe: {  	[smem:$0x3FA0] =	sst s6  }
0xf: {  	[smem:$0x3FA1] =	sst s7  }
0x10: {  	[smem:$0x3FA2] =	sst s8  }
0x11: {  	[smem:$0x3FA3] =	sst s9;
	s0 =	simm.s32 @!p0 $0x0  }
0x12: {  	s1 =	sld [smem:$0x3F89];
	s0 =	simm.s32 @p0 $0x1  }
0x13: {  	[smem:$0x3FA4] =	sst s0;
	s0 =	simm.s32 @!p1 $0x0  }
0x14: {  	s2 =	sld [smem:$0x3F88];
	s0 =	simm.s32 @p1 $0x1  }
0x15: {  	[smem:$0x3FA5] =	sst s0;
	s0 =	simm.s32 @!p2 $0x0  }
0x16: {  	s3 =	sld [smem:$0x3FDB];
	s0 =	simm.s32 @p2 $0x1  }
0x17: {  	s4 =	simm.s32 $0x1BF5;
	[smem:$0x3FA7] =	sst s0  }
0x18: {  	s0 =	sld [smem:$0x3F8A];
	_ =	swait.ge [sflag:s4], $0x0  }
0x19: {  	s7 =	sld [smem:$0x3F8B]  }
0x1a: {  	s8 =	sadd.s32 $0xFFFFE003, lr  }
0x1b: {  	s9 =	sadd.s32 $0xFFFFFEF7, lr;
	s5 =	simm.s32 $0xFFFFFFFF;
	p2 =	slt.u32 s8, $0xFFFFF086  }
0x1c: {  	p1 =	slt.u32 s9, $0xF7A;
	s5 =	simm.s32 @!p2 $0x0  }
0x1d: {  	s5 =	simm.s32 @p1 $0x1;
	p0 =	seq.s32 s7, s2  }
0x1e: {  	s7 =	smul.u32 @!p0 $0xF7A, s2;
	p2 =	seq.s32 @!p0 s5, $0x0  }
0x1f: {  	s9 =	smul.u32 $0xF7A, s1;
	s8 =	simm.s32 @!p0 $0x1BF5;
	p2 =	por !p2, p0  }
0x20: {  	[sflag:s8] =	ssyncset.s32 @!p0 $0xFFFFF086;
	s6 =	sadd.s32 @!p0 s3, s7;
	s7 =	simm.s32 @!p0 $0x108  }
0x21: {  	s3 =	sadd.s32 s3, s9;
	s6 =	sadd.s32 @!p0 $0x88, s6;
	s7 =	simm.s32 @p2 $0x1082  }
0x22: {  	[simem:s7], [sflag:s8] =	dma.local @!p0 [hbm:s6], $0xF7A  }
0x23: {  	s9 =	sor.u32 $0xD0000000, s2;
	s6 =	simm.s32 $0x108;
	_ =	swait.ge @!p0 [sflag:s8], $0x0  }
0x24: {  	s3 =	sadd.s32 $0x88, s3;
	s6 =	simm.s32 @!p1 $0x1082;
	[sflag:s4] =	ssyncset.s32 $0xFFFFF086  }
0x25: {  	[simem:s6], [sflag:s4] =	dma.local [hbm:s3], $0xF7A  }
0x26: {  	[smem:$0x3F8B] =	sst s1;
	(tag) =	ssettag s2;
	_ =	strace s9  }
0x27: {  	s1 =	sld [smem:$0x3F9B]  }
0x28: {  	s2 =	sld [smem:$0x3F9C]  }
0x29: {  	s4 =	sld [smem:$0x3F9E]  }
0x2a: {  	p0 =	seq.s32 s5, $0x0;
	s5 =	sld [smem:$0x3F9F]  }
0x2b: {  	s6 =	sld [smem:$0x3FA0]  }
0x2c: {  	s7 =	sld [smem:$0x3FA1]  }
0x2d: {  	s3 =	simm.s32 $0x108;
	s8 =	sld [smem:$0x3FA2]  }
0x2e: {  	s3 =	simm.s32 @!p0 $0x1082;
	s9 =	sld [smem:$0x3FA3]  }
0x2f: {  	lr =	sadd.s32 s0, s3;
	s0 =	sld [smem:$0x3F9A]  }
0x30: {  	s3 =	sld [smem:$0x3F9D]  }
0x31: {  	[smem:$0x3FA6] =	sst s10  }
0x32: {  	s10 =	sld [smem:$0x3FA4];
	_ =	sdelay $0x3  }
0x33: {  	p0 =	seq.s32 s10, $0x1;
	s10 =	sld [smem:$0x3FA6];
	_ =	sdelay $0x3  }
0x34: {  	[smem:$0x3FA6] =	sst s10  }
0x35: {  	s10 =	sld [smem:$0x3FA5];
	_ =	sdelay $0x3  }
0x36: {  	p1 =	seq.s32 s10, $0x1;
	s10 =	sld [smem:$0x3FA6];
	_ =	sdelay $0x3  }
0x37: {  	[smem:$0x3FA6] =	sst s10  }
0x38: {  	s10 =	sld [smem:$0x3FA7]  }
0x39: {  	_ = 	snop;
	(pc) =	sbr.ind lr, $3  }
0x3a: {  	_ = 	snop  }
0x3b: {  	_ = 	snop  }
0x3c: {  	p2 =	seq.s32 s10, $0x1;
	s10 =	sld [smem:$0x3FA6]  }
0x3d: {  	_ =	shalt  }
0x3e: {  	_ =	shalt  }
0x3f: {  	_ =	shalt  }
0x40: {  	_ =	shalt  }
0x41: {  	_ =	shalt  }
0x42: {  	_ =	shalt  }
0x43: {  	_ =	shalt  }
0x44: {  	_ =	shalt  }
0x45: {  	_ =	shalt  }
0x46: {  	_ =	shalt  }
0x47: {  	_ =	shalt  }
0x48: {  	_ =	shalt  }
0x49: {  	_ =	shalt  }
0x4a: {  	_ =	shalt  }
0x4b: {  	_ =	shalt  }
0x4c: {  	_ =	shalt  }
0x4d: {  	_ =	shalt  }
0x4e: {  	_ =	shalt  }
0x4f: {  	_ =	shalt  }
0x50: {  	_ =	shalt  }
0x51: {  	_ =	shalt  }
0x52: {  	_ =	shalt  }
0x53: {  	_ =	shalt  }
0x54: {  	_ =	shalt  }
0x55: {  	_ =	shalt  }
0x56: {  	_ =	shalt  }
0x57: {  	_ =	shalt  }
0x58: {  	_ =	shalt  }
0x59: {  	_ =	shalt  }
0x5a: {  	_ =	shalt  }
0x5b: {  	_ =	shalt  }
0x5c: {  	_ =	shalt  }
0x5d: {  	_ =	shalt  }
0x5e: {  	_ =	shalt  }
0x5f: {  	_ =	shalt  }
0x60: {  	_ =	shalt  }
0x61: {  	_ =	shalt  }
0x62: {  	_ =	shalt  }
0x63: {  	_ =	shalt  }
0x64: {  	_ =	shalt  }
0x65: {  	_ =	shalt  }
0x66: {  	_ =	shalt  }
0x67: {  	_ =	shalt  }
0x68: {  	_ =	shalt  }
0x69: {  	_ =	shalt  }
0x6a: {  	_ =	shalt  }
0x6b: {  	_ =	shalt  }
0x6c: {  	_ =	shalt  }
0x6d: {  	_ =	shalt  }
0x6e: {  	_ =	shalt  }
0x6f: {  	_ =	shalt  }
0x70: {  	_ =	shalt  }
0x71: {  	_ =	shalt  }
0x72: {  	_ =	shalt  }
0x73: {  	_ =	shalt  }
0x74: {  	_ =	shalt  }
0x75: {  	_ =	shalt  }
0x76: {  	_ =	shalt  }
0x77: {  	_ =	shalt  }
0x78: {  	_ =	shalt  }
0x79: {  	_ =	shalt  }
0x7a: {  	_ =	shalt  }
0x7b: {  	_ =	shalt  }
0x7c: {  	_ =	shalt  }
0x7d: {  	_ =	shalt  }
0x7e: {  	_ =	shalt  }
0x7f: {  	_ =	shalt  }
0x80: {  	_ =	shalt  }
0x81: {  	_ =	shalt  }
0x82: {  	_ =	shalt  }
0x83: {  	_ =	shalt  }
0x84: {  	_ =	shalt  }
0x85: {  	_ =	shalt  }
0x86: {  	_ =	shalt  }
0x87: {  	_ =	shalt  }
.Lfunc_end0:
.L_simem_size_0:
called_computation_lowered:
.L_overlay_start_0:
0x88: {  	s2 =	sld [smem:$0x3FD9]  }
0x89: {  	s3 =	sld [smem:$0x3FFE];
	_ =	sdelay $0x1  }
0x8a: {  	s1 =	srdreg.scid  }
0x8b: {  	s0 =	sand.u32 $0x1, s1  }
0x8c: {  	s16 =	sshll.u32 s0, $0xA;
	s2 =	sadd.s32 s3, s2  }
0x8d: {  	s2 =	sadd.s32 s2, s16  }
0x8e: {  	[smem:$0x3FB2] =	sst s2  }
0x8f: {  	_ = 	snop  }
0x90: {  	(tm) =	ssettm $0x1  }
0x91: {  	s17 =	sld [smem:$0x3FFB];
	_ =	sdelay $0x3  }
0x92: {  	_ =	strace s17  }
0x93: {  	s2 =	sld [smem:$0x3FFC];
	_ =	sdelay $0x3  }
0x94: {  	_ =	strace s2  }
0x95: {  	s2 =	sld [smem:$0x3FFD];
	_ =	sdelay $0x3  }
0x96: {  	_ =	strace s2  }
0x97: {  	_ =	strace $0x8FFFFFFF  }
0x98: {  	s18 =	sld [smem:$0x3FDB];
	_ =	sdelay $0x1  }
0x99: {  	s19 =	simm.s32 $_scs_section_size  }
0x9a: {  	s4 =	simm.s32 $_size__tile_overlayer_lowered;
	s5 =	simm.s32 $_tile_overlayer_lowered  }
0x9b: {  	s22 =	simm.s32 $0x1BFF;
	s21 =	sshll.u32 s5, $0x1;
	s2 =	sadd.s32 s19, s18  }
0x9c: {  	s6 =	simm.s32 $0x0;
	s20 =	sshll.u32 s4, $0x1;
	s4 =	sadd.s32 s21, s2  }
0x9d: {  	[timem:s6], [sflag:s22] =	dma.local [hbm:s4], s20  }
0x9e: {  	_ =	swait.ge [sflag:s22], s20  }
0x9f: {  	s3 =	ssub.s32 $0x0, s20;
	[sflag:s22] =	ssyncset.done $0x0  }
0xa0: {  	[sflag:s22] =	ssyncadd.s32 s3;
	_ =	sdelay $0x1  }
0xa1: {  	s23 =	simm.s32 $0x1B8B  }
0xa2: {  	_ =	swait.ge [sflag:s23], $0x1  }
0xa3: {  	[sflag:s23] =	ssyncset.done $0x0  }
0xa4: {  	s25 =	simm.s32 $0x1B8E;
	s24 =	sld [smem:$0x3FFE];
	[sflag:s23] =	ssyncadd.s32 $0xFFFFFFFF  }
0xa5: {  	s26 =	simm.s32 $execute0_lowered;
	[smem:$0x3FD2] =	sst s25  }
0xa6: {  	s4 =	sshll.u32 s26, $0x1;
	_ =	strace $0x80000046;
	[dreg:$0x1] =	wrdreg $0xFFFFFFFF  }
0xa7: {  	s28 =	simm.s32 $_size_execute0_lowered;
	s2 =	sadd.s32 s2, s4;
	[dreg:$0x0] =	wrdreg $0x0  }
0xa8: {  	s4 =	sshll.u32 s28, $0x1;
	[dreg:$0x2] =	wrdreg s2  }
0xa9: {  	[dreg:$0x3] =	wrdreg s4  }
0xaa: {  	[dreg:$0x4] =	wrdreg $0xC0  }
0xab: {  	_ =	task [dreg:s6], $0x5FFFF  }
0xac: {  	[dreg:$0x1] =	wrdreg $0xFFFFFFFF  }
0xad: {  	[dreg:$0x0] =	wrdreg $0x60  }
0xae: {  	[dreg:$0x2] =	wrdreg s24  }
0xaf: {  	[dreg:$0x3] =	wrdreg $0x9  }
0xb0: {  	_ =	task.clear_ibuf [dreg:s6], $0x4FFFF;
	_ =	strace $0x90000046  }
0xb1: {  	s29 =	simm.s32 $0x9;
	_ =	strace $0x80000048  }
0xb2: {  	_ =	swait.ge [sflag:s29], $0x1  }
0xb3: {  	[sflag:s29] =	ssyncadd.s32 $0xFFFFFFFF  }
0xb4: {  	_ =	strace $0x90000048  }
0xb5: {  	_ =	sfence  }
0xb6: {  	s30 =	sld [smem:$0x0];
	_ =	sdelay $0x2  }
0xb7: {  	s31 =	sshll.u32 s1, $0xD;
	s1 =	sshrl.u32 s1, $0x2  }
0xb8: {  	s3 =	sand.u32 $0x4000, s31;
	s1 =	sadd.s32 s1, s30  }
0xb9: {  	s0 =	sor.u32 s3, s0;
	s1 =	sshll.u32 s1, $0x11  }
0xba: {  	s0 =	sor.u32 s1, s0  }
0xbb: {  	s0 =	sadd.s32 $0x8F2B, s0  }
0xbc: {  	[sflag:s0] =	ssyncadd.remote.s32 $0x1  }
0xbd: {  	_ =	sfence.sel $0xFFFF  }
0xbe: {  	[dreg:$0x0] =	wrdreg $0xFFFFFFFF;
	(pc) =	sbr.abs _section_cstart, $3  }
0xbf: {  	[dreg:$0x1] =	wrdreg $0xFFFFFFFF  }
0xc0: {  	_ =	task.clear_ibuf [dreg:s6], $0x2FFFF;
	_ =	strace $0x9FFFFFFF  }
0xc1: {  	(tm) =	ssettm $0x7FFFFFFF  }
tec
execute0_lowered:
.L_overlay_start_1:
0x0: {  	(tag) =	ssettag $0x1  }
0x1: {  	s1 =	srdreg.scid;
	s0 =	stileid.u32  }
0x2: {  	s5 =	sand.u32 $0x1, s1;
	s3 =	sshll.u32 s0, $0x1  }
0x3: {  	s6 =	sor.u32 s5, s3  }
0x4: {  	p0 =	sgt.u32 s6, $0x18  }
.Ltmp0:
0x5: {  	_ = 	snop;
	(pc) =	sbr.rel @p0 .LBB2_7-.Ltmp0, $4  }
0x6: {  	_ = 	snop  }
0x7: {  	s4 =	rddreg [dreg:$0x0];
	s2 =	simm.s32 $0x0  }
0x8: {  	[smem:$0x7FF] =	sst s2  }
0x9: {  	s1 =	rddreg [dreg:$0x1];
	_ =	strace $0x80000047  }
0xa: {  	s7 =	smul.u32 $0x190000, s6  }
0xb: {  	s8 =	smul.u32 $0x640, s6  }
0xc: {  	s11 =	smul.u32 $0x19000, s6  }
0xd: {  	s3 =	sadd.s32 $0x7000, s4;
	s9 =	sadd.s32 $0x1AA00, s4;
	s28 =	smul.u32 $0x32000, s0  }
0xe: {  	s10 =	ssub.s32 $0x2, s5;
	s12 =	sadd.s32 $0x24800, s4;
	s29 =	smul.u32 $0x19000, s5  }
0xf: {  	s13 =	simm.s32 $0x6400;
	s14 =	simm.s32 $0xA400;
	s15 =	simm.s32 $0x1  }
0x10: {  	s16 =	simm.s32 $0x2;
	s17 =	simm.s32 $0x6300;
	s26 =	sshrl.u32 s10, $0x1  }
0x11: {  	s18 =	simm.s32 $0x0;
	s10 =	ssub.s32 s10, s26;
	s4 =	sadd.s32 s9, s8  }
0x12: {  	s7 =	sshrl.u32 s7, $0x4;
	s30 =	sadd.s32 s28, s12;
	s31 =	sadd.s32 s12, s11  }
0x13: {  	s11 =	simm.s32 $0x100;
	s5 =	smax.u32 s10, $0x1;
	s6 =	sadd.s32 s7, s12  }
0x14: {  	s9 =	sadd.s32 s29, s30;
	s8 =	sadd.s32 $0x18800, s31;
	s10 =	simm.s32 $0x3  }
0x15: {  	s12 =	simm.s32 $0x3200;
	s7 =	sadd.s32 $0x18000, s6;
	s9 =	sadd.s32 $0x800, s9  }
.LBB2_2:
0x16: {  	s19 =	simm.s32 $0x0  }
0x17: {  	[tilespmem:s19], [sflag:$0x3] =	stream.linear.gather [hbm4b:s4+s19], $0x3200, $0x38;
	[tilespmem:$0xE400] =	vst v63  }
0x18: {  	_ =	swait.ge [sflag:s10], $0x3200  }
0x19: {  	[sflag:s10] =	ssyncset.done $0x0  }
0x1a: {  	s19 =	simm.s32 $0x0;
	[sflag:s10] =	ssyncadd.s32 $0xFFFFCE00  }
0x1b: {  	v0 =	vld [tilespmem:s19+$0x10]  }
0x1c: {  	s20 =	simm.s32 $0x80;
	v1 =	vld [tilespmem:s19+$0x0]  }
.LBB2_3:
0x1d: {  	p0 =	sne.s32 s20, $0xC780  }
.Ltmp1:
0x1e: {  	_ = 	snop;
	(pc) =	sbr.rel @p0 .LBB2_3-.Ltmp1, $4  }
0x1f: {  	_ = 	snop  }
0x20: {  	s21 =	sshra.s32 s20, $0x2;
	s20 =	sadd.s32 $0x80, s20;
	[tilespmem:s19+$0x3210] =	vst v0  }
0x21: {  	v0 =	vld [tilespmem:s21+$0x10];
	[tilespmem:s19+$0x3200] =	vst v1;
	s19 =	smov.u32 s21  }
0x22: {  	v1 =	vld [tilespmem:s19+$0x0]  }
0x23: {  	_ =	sdelay $0x2  }
0x24: {  	[tilespmem:s19+$0x3210] =	vst v0  }
0x25: {  	[tilespmem:s19+$0x3200] =	vst v1  }
0x26: {  	[tilespmem:s13], [sflag:$0x1] =	stream.indirect.gather [hbm4b:s3+s11], $0x40, s12, s11, $0xb8;
	[tilespmem:$0xE400] =	vst v63  }
0x27: {  	s19 =	simm.s32 $0x3300  }
0x28: {  	[tilespmem:s14], [sflag:$0x2] =	stream.indirect.gather [hbm4b:s3+s11], $0x40, s19, s11, $0xb8;
	[tilespmem:$0xE400] =	vst v63  }
0x29: {  	_ =	swait.ge [sflag:s15], $0x4000  }
0x2a: {  	[sflag:s15] =	ssyncset.done $0x0  }
0x2b: {  	s20 =	sadd.s32 $0x0, s6;
	[sflag:s15] =	ssyncadd.s32 $0xFFFFC000  }
0x2c: {  	[hbm4b:s20+s2] =	stream.linear.scatter [tilespmem:s13], [sflag:$0x3], $0x4000, $0x38;
	[tilespmem:$0xE400] =	vst v63  }
0x2d: {  	_ =	swait.ge [sflag:s10], $0x4000  }
0x2e: {  	[sflag:s10] =	ssyncset.done $0x0  }
0x2f: {  	s30 =	simm.s32 $0x3400;
	[sflag:s10] =	ssyncadd.s32 $0xFFFFC000  }
0x30: {  	[tilespmem:s13], [sflag:$0x1] =	stream.indirect.gather [hbm4b:s3+s11], $0x40, s30, s11, $0xb8;
	[tilespmem:$0xE400] =	vst v63  }
0x31: {  	_ =	swait.ge [sflag:s16], $0x4000  }
0x32: {  	[sflag:s16] =	ssyncset.done $0x0  }
0x33: {  	s31 =	sadd.s32 $0x0, s9;
	[sflag:s16] =	ssyncadd.s32 $0xFFFFC000  }
0x34: {  	[hbm4b:s31+s2] =	stream.linear.scatter [tilespmem:s14], [sflag:$0x3], $0x4000, $0x38;
	[tilespmem:$0xE400] =	vst v63  }
0x35: {  	_ =	swait.ge [sflag:s10], $0x4000  }
0x36: {  	s20 =	simm.s32 $0x1000;
	[sflag:s10] =	ssyncset.done $0x0  }
.LBB2_5:
0x37: {  	p0 =	sne.s32 s20, $0x17000;
	[sflag:s10] =	ssyncadd.s32 $0xFFFFC000;
	s19 =	sadd.s32 $0x200, s19  }
0x38: {  	[tilespmem:s14], [sflag:$0x2] =	stream.indirect.gather [hbm4b:s3+s11], $0x40, s19, s11, $0xb8;
	[tilespmem:$0xE400] =	vst v63  }
0x39: {  	s21 =	smov.u32 s20;
	s20 =	sadd.s32 $0x1000, s20;
	_ =	swait.ge [sflag:s15], $0x4000  }
0x3a: {  	[sflag:s15] =	ssyncset.done $0x0  }
0x3b: {  	s22 =	sadd.s32 s21, s6;
	[sflag:s15] =	ssyncadd.s32 $0xFFFFC000  }
0x3c: {  	[hbm4b:s22+s2] =	stream.linear.scatter [tilespmem:s13], [sflag:$0x3], $0x4000, $0x38;
	[tilespmem:$0xE400] =	vst v63  }
0x3d: {  	_ =	swait.ge [sflag:s10], $0x4000  }
0x3e: {  	[sflag:s10] =	ssyncset.done $0x0  }
0x3f: {  	s22 =	sadd.s32 $0x100, s19;
	[sflag:s10] =	ssyncadd.s32 $0xFFFFC000  }
0x40: {  	[tilespmem:s13], [sflag:$0x1] =	stream.indirect.gather [hbm4b:s3+s11], $0x40, s22, s11, $0xb8;
	[tilespmem:$0xE400] =	vst v63  }
0x41: {  	_ =	swait.ge [sflag:s16], $0x4000  }
.Ltmp2:
0x42: {  	[sflag:s16] =	ssyncset.done $0x0;
	(pc) =	sbr.rel @p0 .LBB2_5-.Ltmp2, $4  }
0x43: {  	s21 =	sadd.s32 s21, s9;
	[sflag:s16] =	ssyncadd.s32 $0xFFFFC000  }
0x44: {  	[hbm4b:s21+s2] =	stream.linear.scatter [tilespmem:s14], [sflag:$0x3], $0x4000, $0x38;
	[tilespmem:$0xE400] =	vst v63  }
0x45: {  	_ =	swait.ge [sflag:s10], $0x4000  }
0x46: {  	[sflag:s10] =	ssyncset.done $0x0  }
0x47: {  	[sflag:s10] =	ssyncadd.s32 $0xFFFFC000  }
0x48: {  	[tilespmem:s14], [sflag:$0x2] =	stream.indirect.gather [hbm4b:s3+s11], $0x40, s17, s11, $0xb8;
	[tilespmem:$0xE400] =	vst v63  }
0x49: {  	_ =	swait.ge [sflag:s15], $0x4000  }
0x4a: {  	[sflag:s15] =	ssyncset.done $0x0  }
0x4b: {  	[sflag:s15] =	ssyncadd.s32 $0xFFFFC000  }
0x4c: {  	[hbm4b:s7+s2] =	stream.linear.scatter [tilespmem:s13], [sflag:$0x3], $0x4000, $0x38;
	[tilespmem:$0xE400] =	vst v63  }
0x4d: {  	_ =	swait.ge [sflag:s10], $0x4000  }
0x4e: {  	[sflag:s10] =	ssyncset.done $0x0  }
0x4f: {  	[sflag:s10] =	ssyncadd.s32 $0xFFFFC000  }
0x50: {  	s18 =	sadd.s32 $0x1, s18;
	_ =	swait.ge [sflag:s16], $0x4000  }
0x51: {  	p0 =	sne.s32 s18, s5;
	[sflag:s16] =	ssyncset.done $0x0  }
.Ltmp3:
0x52: {  	[sflag:s16] =	ssyncadd.s32 $0xFFFFC000;
	(pc) =	sbr.rel @p0 .LBB2_2-.Ltmp3, $4  }
0x53: {  	[hbm4b:s8+s2] =	stream.linear.scatter [tilespmem:s14], [sflag:$0x3], $0x4000, $0x38;
	[tilespmem:$0xE400] =	vst v63  }
0x54: {  	_ =	swait.ge [sflag:s10], $0x4000  }
0x55: {  	[sflag:s10] =	ssyncset.done $0x0  }
0x56: {  	[sflag:s10] =	ssyncadd.s32 $0xFFFFC000  }
.LBB2_7:
0x57: {  	_ =	sfence.sel $0x180000  }
0x58: {  	[bflag:$0x0] =	sbarrier.arrive $0xFFFF  }
0x59: {  	p0 =	sne.s32 s0, $0x0;
	_ =	strace $0x90000047  }
0x5a: {  	s0 =	sadd.s32 @!p0 $0x100000, s1;
	[bflag:$0x2] =	sbarrier.arrive $0xFFFF  }
0x5b: {  	[sflag:s0] =	ssyncadd.tile.s32 @!p0 $0x1;
	_ =	shalt  }
.Lfunc_end2:
_tile_overlayer_lowered:
.L_overlay_start_2:
0x5c: {  	(tag) =	ssettag $0x2  }
0x5d: {  	s0 =	rddreg [dreg:$0x0];
	s2 =	stileid.u32  }
0x5e: {  	s1 =	rddreg [dreg:$0x1];
	p0 =	sne.s32 s2, $0x0  }
0x5f: {  	s3 =	rddreg [dreg:$0x2];
	[bflag:$0x3] =	sbarrier.arrive $0xFFFF;
	s2 =	simm.s32 @!p0 $0x1C03  }
0x60: {  	[timem:s3], [sflag:s2] =	dma.local @!p0 [hbm:s0], s1  }
0x61: {  	s0 =	simm.s32 @!p0 $0x3  }
0x62: {  	_ =	swait.ge @!p0 [sflag:s0], s1  }
0x63: {  	s1 =	ssub.s32 @!p0 $0x0, s1;
	[sflag:s0] =	ssyncset.done @!p0 $0x0  }
0x64: {  	[sflag:s0] =	ssyncadd.s32 @!p0 s1  }
0x65: {  	[bflag:$0x3] =	sbarrier.arrive $0xFFFF  }
0x66: {  	_ =	shalt  }

</sc_bundles>
